<compile_context>
chip_gen: v7x
topology: tpu7x:2x2x1
jax: 0.10.2.dev20260603
libtpu: 0.0.44.dev20260713+nightly
codegen_flags: <defaults>
</compile_context>

<pallas_src>
import functools

import jax
import jax.numpy as jnp
from jax import lax
from jax.experimental import pallas as pl
from jax.experimental.pallas import tpu as pltpu
from jax.experimental.pallas import tpu_sc as plsc

N = 10000
E = 320000
H = 128

NC = 2
NS = 16
NW = NC * NS

CH = 64
NCHUNK = E // CH
ITERS = -(-NCHUNK // NW)
NPAD = 10112
ROWS_PER_TILE = NPAD // NS



def _dense_body(x_ref, wup_ref, b_ref, rbfT_ref, w1_ref, w2_ref,
                xup_ref, emb_ref):
    xup_ref[...] = (lax.dot_general(
        x_ref[...], wup_ref[...], (((1,), (1,)), ((), ())),
        preferred_element_type=jnp.float32,
    ) + b_ref[...])
    z = lax.dot_general(
        w1_ref[...], rbfT_ref[...], (((1,), (0,)), ((), ())),
        preferred_element_type=jnp.float32,
    )
    z = z * jax.nn.sigmoid(z)
    emb_ref[...] = lax.dot_general(
        z, w2_ref[...], (((0,), (1,)), ((), ())),
        preferred_element_type=jnp.float32,
    )


def _combine_body(x_ref, p0_ref, p1_ref, o_ref):
    o_ref[...] = x_ref[...] + p0_ref[0] + p1_ref[0]


def _dense(x, W_up, b_up, rbfT8, W_rbf1p, W_rbf2):
    grid = 10
    xblk = N // grid
    eblk = E // grid
    bas = W_rbf2.shape[1]
    return pl.pallas_call(
        _dense_body,
        grid=(grid,),
        in_specs=[
            pl.BlockSpec((xblk, H), lambda i: (i, 0)),
            pl.BlockSpec((H, H), lambda i: (0, 0)),
            pl.BlockSpec((1, H), lambda i: (0, 0)),
            pl.BlockSpec((8, eblk), lambda i: (0, i)),
            pl.BlockSpec((bas, 8), lambda i: (0, 0)),
            pl.BlockSpec((H, bas), lambda i: (0, 0)),
        ],
        out_specs=[
            pl.BlockSpec((xblk, H), lambda i: (i, 0)),
            pl.BlockSpec((eblk, H), lambda i: (i, 0)),
        ],
        out_shape=[
            jax.ShapeDtypeStruct((N, H), jnp.float32),
            jax.ShapeDtypeStruct((E, H), jnp.float32),
        ],
    )(x, W_up, b_up.reshape(1, H), rbfT8, W_rbf1p, W_rbf2)


def _combine(x, parts):
    blk = 1000
    return pl.pallas_call(
        _combine_body,
        grid=(N // blk,),
        in_specs=[
            pl.BlockSpec((blk, H), lambda i: (i, 0)),
            pl.BlockSpec((1, blk, H), lambda i: (0, i, 0)),
            pl.BlockSpec((1, blk, H), lambda i: (1, i, 0)),
        ],
        out_specs=pl.BlockSpec((blk, H), lambda i: (i, 0)),
        out_shape=jax.ShapeDtypeStruct((N, H), jnp.float32),
    )(x, parts, parts)



NBUF = 3
OUTER = -(-(ITERS + 1) // NBUF)


def _sc_body(xup_hbm, rbf_hbm, eidx_hbm, zero_hbm, out_hbm,
             rowv, colv, gath, rbfv, acc,
             semi, semg, sems):
    c = lax.axis_index("c")
    s = lax.axis_index("s")
    wid = s * NC + c

    pltpu.sync_copy(zero_hbm, acc.at[pl.ds(s * ROWS_PER_TILE, ROWS_PER_TILE)])
    plsc.subcore_barrier()

    def issue_idx(k, b):
        cid = k * NW + wid

        @pl.when(cid < NCHUNK)
        def _():
            base = cid * CH
            pltpu.async_copy(eidx_hbm.at[pl.ds(base, CH)],
                             rowv.at[b], semi[b])
            pltpu.async_copy(eidx_hbm.at[pl.ds(E + base, CH)],
                             colv.at[b], semi[b])

    issue_idx(0, 0)

    def outer_body(o, carry):
        g0 = o * NBUF
        for b in range(NBUF):
            g = g0 + b
            bn = (b + 1) % NBUF
            bp = (b + 2) % NBUF
            cid = g * NW + wid

            @pl.when(jnp.logical_and(g >= 2, cid - 2 * NW < NCHUNK))
            def _():
                pltpu.make_async_copy(out_hbm.at[c, pl.ds(0, CH)],
                                      gath.at[bn], sems[bn]).wait()

            issue_idx(g + 1, bn)

            @pl.when(cid < NCHUNK)
            def _():
                pltpu.make_async_copy(eidx_hbm.at[pl.ds(0, CH)],
                                      rowv.at[b], semi[b]).wait()
                pltpu.make_async_copy(eidx_hbm.at[pl.ds(0, CH)],
                                      colv.at[b], semi[b]).wait()
                pltpu.async_copy(xup_hbm.at[rowv.at[b]], gath.at[b],
                                 semg[b])
                pltpu.async_copy(rbf_hbm.at[pl.ds(cid * CH, CH)],
                                 rbfv.at[b], semg[b])

            @pl.when(jnp.logical_and(g >= 1, cid - NW < NCHUNK))
            def _():
                pltpu.make_async_copy(rbf_hbm.at[pl.ds(0, CH)],
                                      gath.at[bp], semg[bp]).wait()
                pltpu.make_async_copy(rbf_hbm.at[pl.ds(0, CH)],
                                      rbfv.at[bp], semg[bp]).wait()

                @plsc.parallel_loop(0, CH, step=1, unroll=4)
                def _(e):
                    for f in range(H // 16):
                        sl = pl.ds(f * 16, 16)
                        gath[bp, e, sl] = gath[bp, e, sl] * rbfv[bp, e, sl]

                pltpu.async_copy(gath.at[bp], acc.at[colv.at[bp]], sems[bp],
                                 add=True)

        return carry

    lax.fori_loop(0, OUTER, outer_body, 0)

    plsc.subcore_barrier()
    pltpu.sync_copy(acc.at[pl.ds(s * ROWS_PER_TILE, ROWS_PER_TILE)],
                    out_hbm.at[c, pl.ds(s * ROWS_PER_TILE, ROWS_PER_TILE)])


@functools.partial(
    pl.kernel,
    out_type=jax.ShapeDtypeStruct((NC, NPAD, H), jnp.float32),
    mesh=plsc.VectorSubcoreMesh(core_axis_name="c", subcore_axis_name="s"),
    scratch_types=[
        pltpu.VMEM((NBUF, CH), jnp.int32),
        pltpu.VMEM((NBUF, CH), jnp.int32),
        pltpu.VMEM((NBUF, CH, H), jnp.float32),
        pltpu.VMEM((NBUF, CH, H), jnp.float32),
        pltpu.VMEM_SHARED((NPAD, H), jnp.float32),
        [pltpu.SemaphoreType.DMA] * NBUF,
        [pltpu.SemaphoreType.DMA] * NBUF,
        [pltpu.SemaphoreType.DMA] * NBUF,
    ],
)
def _sc_gather_mul_scatter(xup_hbm, rbf_hbm, eidx_hbm, zero_hbm,
                           out_hbm, rowv, colv, gath, rbfv, acc,
                           semi, semg, sems):
    _sc_body(xup_hbm, rbf_hbm, eidx_hbm, zero_hbm, out_hbm,
             rowv, colv, gath, rbfv, acc, semi, semg, sems)



def kernel(x, rbf, sbf, edge_index, triplets,
           W_rbf1, W_rbf2, W_sbf1, W_sbf2, W_t1, W_t2, b_t2,
           W_up, b_up, W_down, b_down):
    edge_flat = edge_index.reshape(2 * E)
    nrad = rbf.shape[1]
    rbfT8 = jnp.concatenate(
        [rbf.T, jnp.zeros((8 - nrad, E), jnp.float32)], axis=0)
    W_rbf1p = jnp.concatenate(
        [W_rbf1, jnp.zeros((W_rbf1.shape[0], 8 - nrad), jnp.float32)], axis=1)
    x_up, rbf_emb = _dense(x, W_up, b_up, rbfT8, W_rbf1p, W_rbf2)
    zeros = jnp.zeros((ROWS_PER_TILE, H), jnp.float32)
    parts = _sc_gather_mul_scatter(x_up, rbf_emb, edge_flat, zeros)
    return _combine(x, parts)

# --- scband reference (transcript-rebuilt; emitter-appended) ---
"""Pipeline reference for scband-interaction-ppblock-3822520894068 (READ-ONLY COPY).

The authoritative reference and input builder live on the scoring server;
editing this copy changes nothing except your own understanding.
"""

import jax, jax.numpy as jnp
import numpy as np

N = 10000
E = 320000
H = 128          # hidden_channels
INT = 64         # int_emb_size
BAS = 8          # basis_emb_size
NRAD = 6
NSPH = 7


def setup_inputs(seed: int = 0) -> dict:
    key = jax.random.key(seed)
    ks = jax.random.split(key, 16)
    inp = {}
    inp["x"] = jax.random.normal(ks[0], (N, H), dtype=jnp.float32)
    inp["rbf"] = jax.random.normal(ks[1], (E, NRAD), dtype=jnp.float32)
    inp["sbf"] = jnp.zeros((0, NSPH * NRAD), dtype=jnp.float32)
    inp["edge_index"] = jax.random.randint(ks[2], (2, E), 0, N)
    inp["triplets"] = jnp.zeros((0, 3), dtype=jnp.int32)
    # learned parameters (torch nn.Linear weight convention: [out, in])
    inp["W_rbf1"] = jax.random.normal(ks[3], (BAS, NRAD), dtype=jnp.float32) / np.sqrt(NRAD)
    inp["W_rbf2"] = jax.random.normal(ks[4], (H, BAS), dtype=jnp.float32) / np.sqrt(BAS)
    inp["W_sbf1"] = jax.random.normal(ks[5], (BAS, NSPH * NRAD), dtype=jnp.float32) / np.sqrt(NSPH * NRAD)
    inp["W_sbf2"] = jax.random.normal(ks[6], (INT, BAS), dtype=jnp.float32) / np.sqrt(BAS)
    inp["W_t1"] = jax.random.normal(ks[7], (INT, H), dtype=jnp.float32) / np.sqrt(H)
    inp["W_t2"] = jax.random.normal(ks[8], (H, INT), dtype=jnp.float32) / np.sqrt(INT)
    inp["b_t2"] = jnp.zeros((H,), dtype=jnp.float32)
    inp["W_up"] = jax.random.normal(ks[9], (H, H), dtype=jnp.float32) / np.sqrt(H)
    inp["b_up"] = jnp.zeros((H,), dtype=jnp.float32)
    inp["W_down"] = jax.random.normal(ks[10], (H, H), dtype=jnp.float32) / np.sqrt(H)
    inp["b_down"] = jnp.zeros((H,), dtype=jnp.float32)
    return inp


def reference(x, rbf, sbf, edge_index, triplets,
              W_rbf1, W_rbf2, W_sbf1, W_sbf2, W_t1, W_t2, b_t2,
              W_up, b_up, W_down, b_down):
    row, col = edge_index[0], edge_index[1]
    if triplets.shape[0] == 0:
        # simple_forward path
        rbf_emb = jax.nn.silu(rbf @ W_rbf1.T) @ W_rbf2.T
        x_up = x @ W_up.T + b_up
        edge_msg = x_up[row] * rbf_emb
        out = jnp.zeros_like(x).at[col].add(edge_msg)
        return x + out
    # full triplet path (faithful vectorization of the python loop; each
    # iteration adds a broadcast vector t[j_idx]*sbf_emb[i] to every edge row)
    x_up = x @ W_up.T + b_up
    x_down = x @ W_down.T + b_down
    rbf_emb = jax.nn.silu(rbf @ W_rbf1.T) @ W_rbf2.T
    x_edge = x_up[row] * rbf_emb
    if sbf.shape[0] > 0:
        sbf_emb = jax.nn.silu(sbf @ W_sbf1.T) @ W_sbf2.T
        t = jax.nn.silu(x_down @ W_t1.T) @ W_t2.T + b_t2
        n = min(triplets.shape[0], sbf_emb.shape[0])
        contrib = (t[triplets[:n, 1]] * sbf_emb[:n]).sum(axis=0)
        x_edge = x_edge + contrib
    out = jnp.zeros_like(x).at[col].add(x_edge)
    return x + out

if __name__ == "__main__":
    import jax
    _d = setup_inputs()
    print(jax.jit(kernel)(*tuple(_d.values())))

</pallas_src>

<mosaic_0001>
#map = affine_map<(d0, d1) -> (0, 0)>
#map1 = affine_map<(d0, d1) -> (0)>
#map2 = affine_map<(d0, d1) -> (0, 0, 0)>
module attributes {stable_mosaic.version = 14 : i64} {
  func.func @_sc_gather_mul_scatter(%arg0: i32, %arg1: i32, %arg2: memref<10000x128xf32, #tpu.memory_space<hbm>>, %arg3: memref<320000x128xf32, #tpu.memory_space<hbm>>, %arg4: memref<640000xi32, #tpu.memory_space<hbm>>, %arg5: memref<632x128xf32, #tpu.memory_space<hbm>>, %arg6: memref<2x10112x128xf32, #tpu.memory_space<hbm>>, %arg7: memref<3x64xi32, #tpu.memory_space<vmem>>, %arg8: memref<3x64xi32, #tpu.memory_space<vmem>>, %arg9: memref<3x64x128xf32, #tpu.memory_space<vmem>>, %arg10: memref<3x64x128xf32, #tpu.memory_space<vmem>>, %arg11: memref<10112x128xf32, #tpu.memory_space<vmem_shared>>, %arg12: memref<!tpu.dma_semaphore, #tpu.memory_space<semaphore_mem>>, %arg13: memref<!tpu.dma_semaphore, #tpu.memory_space<semaphore_mem>>, %arg14: memref<!tpu.dma_semaphore, #tpu.memory_space<semaphore_mem>>, %arg15: memref<!tpu.dma_semaphore, #tpu.memory_space<semaphore_mem>>, %arg16: memref<!tpu.dma_semaphore, #tpu.memory_space<semaphore_mem>>, %arg17: memref<!tpu.dma_semaphore, #tpu.memory_space<semaphore_mem>>, %arg18: memref<!tpu.dma_semaphore, #tpu.memory_space<semaphore_mem>>, %arg19: memref<!tpu.dma_semaphore, #tpu.memory_space<semaphore_mem>>, %arg20: memref<!tpu.dma_semaphore, #tpu.memory_space<semaphore_mem>>) attributes {dimension_semantics = [#tpu.dimension_semantics<core_parallel>, #tpu.dimension_semantics<subcore_parallel>], iteration_bounds = array<i64: 2, 16>, scalar_prefetch = 0 : i64, scratch_operands = 14 : i64, tpu.core_type = #tpu.core_type<sc_vector_subcore>, window_params = [{transform_indices = #map}, {transform_indices = #map}, {transform_indices = #map1}, {transform_indices = #map}, {transform_indices = #map2}]} {
    %mul3A = arith.constant 2 : i32
    %mul3A_0 = arith.muli %arg1, %mul3A : i32
    %add3A = arith.addi %mul3A_0, %arg0 : i32
    %mul3A_1 = arith.constant 632 : i32
    %mul3A_2 = arith.muli %arg1, %mul3A_1 : i32
    "tpu.region"() ({
      %run_scoped3A = tpu.sem_alloc : memref<!tpu.dma_semaphore, #tpu.memory_space<semaphore_mem>>
      %dma_start3A = arith.constant 0 : i32
      %dma_start3A_17 = tpu.memref_slice %arg11[%mul3A_2, %dma_start3A] : memref<10112x128xf32, #tpu.memory_space<vmem_shared>> -> memref<632x128xf32, #tpu.memory_space<vmem_shared>>
      tpu.enqueue_dma source(%arg5 : memref<632x128xf32, #tpu.memory_space<hbm>>) target(%dma_start3A_17 : memref<632x128xf32, #tpu.memory_space<vmem_shared>>) target_semaphore(%run_scoped3A : memref<!tpu.dma_semaphore, #tpu.memory_space<semaphore_mem>>)
      %dma_wait3A = arith.constant 0 : i32
      %dma_wait3A_18 = tpu.memref_slice %arg11[%mul3A_2, %dma_wait3A] : memref<10112x128xf32, #tpu.memory_space<vmem_shared>> -> memref<632x128xf32, #tpu.memory_space<vmem_shared>>
      tpu.wait_dma2 semaphore(%run_scoped3A : memref<!tpu.dma_semaphore, #tpu.memory_space<semaphore_mem>>) src(%arg5 : memref<632x128xf32, #tpu.memory_space<hbm>>) dst(%dma_wait3A_18 : memref<632x128xf32, #tpu.memory_space<vmem_shared>>)
      tpu.yield
    }) : () -> ()
    %barrier3A = arith.constant 0 : index
    tpu.barrier barrier_id(%barrier3A)
    %add3A_3 = arith.constant 0 : i32
    %add3A_4 = arith.addi %add3A_3, %add3A : i32
    %lt3A = arith.constant 5000 : i32
    %lt3A_5 = arith.cmpi slt, %add3A_4, %lt3A : i32
    %convert_element_type3A = arith.extui %lt3A_5 : i1 to i32
    %cond3A = arith.constant 0 : i32
    %cond3A_6 = arith.cmpi ne, %convert_element_type3A, %cond3A : i32
    scf.if %cond3A_6 {
      %mul3A_17 = arith.constant 64 : i32
      %mul3A_18 = arith.muli %add3A_4, %mul3A_17 : i32
      %dma_start3A = arith.constant 0 : i32
      %dma_start3A_19 = arith.constant 0 : i32
      %dma_start3A_20 = tpu.memref_slice %arg7[%dma_start3A, %dma_start3A_19] : memref<3x64xi32, #tpu.memory_space<vmem>> -> memref<1x64xi32, #tpu.memory_space<vmem>>
      %dma_start3A_21 = tpu.memref_squeeze %dma_start3A_20 : memref<1x64xi32, #tpu.memory_space<vmem>> -> memref<64xi32, #tpu.memory_space<vmem>>
      %dma_start3A_22 = tpu.memref_slice %arg4[%mul3A_18] : memref<640000xi32, #tpu.memory_space<hbm>> -> memref<64xi32, #tpu.memory_space<hbm>>
      %dma_start3A_23 = arith.constant 0 : i32
      %dma_start3A_24 = tpu.memref_slice %arg7[%dma_start3A, %dma_start3A_23] : memref<3x64xi32, #tpu.memory_space<vmem>> -> memref<1x64xi32, #tpu.memory_space<vmem>>
      %dma_start3A_25 = tpu.memref_squeeze %dma_start3A_24 : memref<1x64xi32, #tpu.memory_space<vmem>> -> memref<64xi32, #tpu.memory_space<vmem>>
      %dma_start3A_26 = tpu.memref_slice %arg4[%mul3A_18] : memref<640000xi32, #tpu.memory_space<hbm>> -> memref<64xi32, #tpu.memory_space<hbm>>
      tpu.enqueue_dma source(%dma_start3A_26 : memref<64xi32, #tpu.memory_space<hbm>>) target(%dma_start3A_25 : memref<64xi32, #tpu.memory_space<vmem>>) target_semaphore(%arg12 : memref<!tpu.dma_semaphore, #tpu.memory_space<semaphore_mem>>)
      %add3A_27 = arith.constant 320000 : i32
      %add3A_28 = arith.addi %add3A_27, %mul3A_18 : i32
      %dma_start3A_29 = arith.constant 0 : i32
      %dma_start3A_30 = arith.constant 0 : i32
      %dma_start3A_31 = tpu.memref_slice %arg8[%dma_start3A_29, %dma_start3A_30] : memref<3x64xi32, #tpu.memory_space<vmem>> -> memref<1x64xi32, #tpu.memory_space<vmem>>
      %dma_start3A_32 = tpu.memref_squeeze %dma_start3A_31 : memref<1x64xi32, #tpu.memory_space<vmem>> -> memref<64xi32, #tpu.memory_space<vmem>>
      %dma_start3A_33 = tpu.memref_slice %arg4[%add3A_28] : memref<640000xi32, #tpu.memory_space<hbm>> -> memref<64xi32, #tpu.memory_space<hbm>>
      %dma_start3A_34 = arith.constant 0 : i32
      %dma_start3A_35 = tpu.memref_slice %arg8[%dma_start3A_29, %dma_start3A_34] : memref<3x64xi32, #tpu.memory_space<vmem>> -> memref<1x64xi32, #tpu.memory_space<vmem>>
      %dma_start3A_36 = tpu.memref_squeeze %dma_start3A_35 : memref<1x64xi32, #tpu.memory_space<vmem>> -> memref<64xi32, #tpu.memory_space<vmem>>
      %dma_start3A_37 = tpu.memref_slice %arg4[%add3A_28] : memref<640000xi32, #tpu.memory_space<hbm>> -> memref<64xi32, #tpu.memory_space<hbm>>
      tpu.enqueue_dma source(%dma_start3A_37 : memref<64xi32, #tpu.memory_space<hbm>>) target(%dma_start3A_36 : memref<64xi32, #tpu.memory_space<vmem>>) target_semaphore(%arg12 : memref<!tpu.dma_semaphore, #tpu.memory_space<semaphore_mem>>)
    } else {
    }
    %scan3A = arith.constant 0 : i32
    %scan3A_7 = arith.constant 0 : i32
    %scan3A_8 = arith.constant 53 : i32
    %scan3A_9 = arith.addi %scan3A_7, %scan3A_8 : i32
    %scan3A_10 = arith.constant 1 : i32
    scf.for %scan3A_17 = %scan3A_7 to %scan3A_9 step %scan3A_10  : i32 {
      %mul3A_18 = arith.constant 3 : i32
      %mul3A_19 = arith.muli %scan3A_17, %mul3A_18 : i32
      %add3A_20 = arith.constant 0 : i32
      %add3A_21 = arith.addi %mul3A_19, %add3A_20 : i32
      %mul3A_22 = arith.constant 32 : i32
      %mul3A_23 = arith.muli %add3A_21, %mul3A_22 : i32
      %add3A_24 = arith.addi %mul3A_23, %add3A : i32
      %ge3A = arith.constant 2 : i32
      %ge3A_25 = arith.cmpi sge, %add3A_21, %ge3A : i32
      %sub3A = arith.constant 64 : i32
      %sub3A_26 = arith.subi %add3A_24, %sub3A : i32
      %lt3A_27 = arith.constant 5000 : i32
      %lt3A_28 = arith.cmpi slt, %sub3A_26, %lt3A_27 : i32
      %and3A = arith.andi %ge3A_25, %lt3A_28 : i1
      %convert_element_type3A_29 = arith.extui %and3A : i1 to i32
      %cond3A_30 = arith.constant 0 : i32
      %cond3A_31 = arith.cmpi ne, %convert_element_type3A_29, %cond3A_30 : i32
      scf.if %cond3A_31 {
        %dma_wait3A = arith.constant 1 : i32
        %dma_wait3A_137 = arith.constant 0 : i32
        %dma_wait3A_138 = arith.constant 0 : i32
        %dma_wait3A_139 = tpu.memref_slice %arg9[%dma_wait3A, %dma_wait3A_137, %dma_wait3A_138] : memref<3x64x128xf32, #tpu.memory_space<vmem>> -> memref<1x64x128xf32, #tpu.memory_space<vmem>>
        %dma_wait3A_140 = tpu.memref_squeeze %dma_wait3A_139 : memref<1x64x128xf32, #tpu.memory_space<vmem>> -> memref<64x128xf32, #tpu.memory_space<vmem>>
        %dma_wait3A_141 = arith.constant 0 : i32
        %dma_wait3A_142 = arith.constant 0 : i32
        %dma_wait3A_143 = tpu.memref_slice %arg6[%arg0, %dma_wait3A_141, %dma_wait3A_142] : memref<2x10112x128xf32, #tpu.memory_space<hbm>> -> memref<1x64x128xf32, #tpu.memory_space<hbm>>
        %dma_wait3A_144 = tpu.memref_squeeze %dma_wait3A_143 : memref<1x64x128xf32, #tpu.memory_space<hbm>> -> memref<64x128xf32, #tpu.memory_space<hbm>>
        %dma_wait3A_145 = arith.constant 0 : i32
        %dma_wait3A_146 = arith.constant 0 : i32
        %dma_wait3A_147 = tpu.memref_slice %arg9[%dma_wait3A, %dma_wait3A_145, %dma_wait3A_146] : memref<3x64x128xf32, #tpu.memory_space<vmem>> -> memref<1x64x128xf32, #tpu.memory_space<vmem>>
        %dma_wait3A_148 = tpu.memref_squeeze %dma_wait3A_147 : memref<1x64x128xf32, #tpu.memory_space<vmem>> -> memref<64x128xf32, #tpu.memory_space<vmem>>
        %dma_wait3A_149 = arith.constant 0 : i32
        %dma_wait3A_150 = arith.constant 0 : i32
        %dma_wait3A_151 = tpu.memref_slice %arg6[%arg0, %dma_wait3A_149, %dma_wait3A_150] : memref<2x10112x128xf32, #tpu.memory_space<hbm>> -> memref<1x64x128xf32, #tpu.memory_space<hbm>>
        %dma_wait3A_152 = tpu.memref_squeeze %dma_wait3A_151 : memref<1x64x128xf32, #tpu.memory_space<hbm>> -> memref<64x128xf32, #tpu.memory_space<hbm>>
        tpu.wait_dma2 semaphore(%arg19 : memref<!tpu.dma_semaphore, #tpu.memory_space<semaphore_mem>>) src(%dma_wait3A_152 : memref<64x128xf32, #tpu.memory_space<hbm>>) dst(%dma_wait3A_148 : memref<64x128xf32, #tpu.memory_space<vmem>>)
      } else {
      }
      %add3A_32 = arith.constant 1 : i32
      %add3A_33 = arith.addi %add3A_21, %add3A_32 : i32
      %mul3A_34 = arith.constant 32 : i32
      %mul3A_35 = arith.muli %add3A_33, %mul3A_34 : i32
      %add3A_36 = arith.addi %mul3A_35, %add3A : i32
      %lt3A_37 = arith.constant 5000 : i32
      %lt3A_38 = arith.cmpi slt, %add3A_36, %lt3A_37 : i32
      %convert_element_type3A_39 = arith.extui %lt3A_38 : i1 to i32
      %cond3A_40 = arith.constant 0 : i32
      %cond3A_41 = arith.cmpi ne, %convert_element_type3A_39, %cond3A_40 : i32
      scf.if %cond3A_41 {
        %mul3A_137 = arith.constant 64 : i32
        %mul3A_138 = arith.muli %add3A_36, %mul3A_137 : i32
        %dma_start3A = arith.constant 1 : i32
        %dma_start3A_139 = arith.constant 0 : i32
        %dma_start3A_140 = tpu.memref_slice %arg7[%dma_start3A, %dma_start3A_139] : memref<3x64xi32, #tpu.memory_space<vmem>> -> memref<1x64xi32, #tpu.memory_space<vmem>>
        %dma_start3A_141 = tpu.memref_squeeze %dma_start3A_140 : memref<1x64xi32, #tpu.memory_space<vmem>> -> memref<64xi32, #tpu.memory_space<vmem>>
        %dma_start3A_142 = tpu.memref_slice %arg4[%mul3A_138] : memref<640000xi32, #tpu.memory_space<hbm>> -> memref<64xi32, #tpu.memory_space<hbm>>
        %dma_start3A_143 = arith.constant 0 : i32
        %dma_start3A_144 = tpu.memref_slice %arg7[%dma_start3A, %dma_start3A_143] : memref<3x64xi32, #tpu.memory_space<vmem>> -> memref<1x64xi32, #tpu.memory_space<vmem>>
        %dma_start3A_145 = tpu.memref_squeeze %dma_start3A_144 : memref<1x64xi32, #tpu.memory_space<vmem>> -> memref<64xi32, #tpu.memory_space<vmem>>
        %dma_start3A_146 = tpu.memref_slice %arg4[%mul3A_138] : memref<640000xi32, #tpu.memory_space<hbm>> -> memref<64xi32, #tpu.memory_space<hbm>>
        tpu.enqueue_dma source(%dma_start3A_146 : memref<64xi32, #tpu.memory_space<hbm>>) target(%dma_start3A_145 : memref<64xi32, #tpu.memory_space<vmem>>) target_semaphore(%arg13 : memref<!tpu.dma_semaphore, #tpu.memory_space<semaphore_mem>>)
        %add3A_147 = arith.constant 320000 : i32
        %add3A_148 = arith.addi %add3A_147, %mul3A_138 : i32
        %dma_start3A_149 = arith.constant 1 : i32
        %dma_start3A_150 = arith.constant 0 : i32
        %dma_start3A_151 = tpu.memref_slice %arg8[%dma_start3A_149, %dma_start3A_150] : memref<3x64xi32, #tpu.memory_space<vmem>> -> memref<1x64xi32, #tpu.memory_space<vmem>>
        %dma_start3A_152 = tpu.memref_squeeze %dma_start3A_151 : memref<1x64xi32, #tpu.memory_space<vmem>> -> memref<64xi32, #tpu.memory_space<vmem>>
        %dma_start3A_153 = tpu.memref_slice %arg4[%add3A_148] : memref<640000xi32, #tpu.memory_space<hbm>> -> memref<64xi32, #tpu.memory_space<hbm>>
        %dma_start3A_154 = arith.constant 0 : i32
        %dma_start3A_155 = tpu.memref_slice %arg8[%dma_start3A_149, %dma_start3A_154] : memref<3x64xi32, #tpu.memory_space<vmem>> -> memref<1x64xi32, #tpu.memory_space<vmem>>
        %dma_start3A_156 = tpu.memref_squeeze %dma_start3A_155 : memref<1x64xi32, #tpu.memory_space<vmem>> -> memref<64xi32, #tpu.memory_space<vmem>>
        %dma_start3A_157 = tpu.memref_slice %arg4[%add3A_148] : memref<640000xi32, #tpu.memory_space<hbm>> -> memref<64xi32, #tpu.memory_space<hbm>>
        tpu.enqueue_dma source(%dma_start3A_157 : memref<64xi32, #tpu.memory_space<hbm>>) target(%dma_start3A_156 : memref<64xi32, #tpu.memory_space<vmem>>) target_semaphore(%arg13 : memref<!tpu.dma_semaphore, #tpu.memory_space<semaphore_mem>>)
      } else {
      }
      %lt3A_42 = arith.constant 5000 : i32
      %lt3A_43 = arith.cmpi slt, %add3A_24, %lt3A_42 : i32
      %convert_element_type3A_44 = arith.extui %lt3A_43 : i1 to i32
      %cond3A_45 = arith.constant 0 : i32
      %cond3A_46 = arith.cmpi ne, %convert_element_type3A_44, %cond3A_45 : i32
      scf.if %cond3A_46 {
        %dma_wait3A = arith.constant 0 : i32
        %dma_wait3A_137 = arith.constant 0 : i32
        %dma_wait3A_138 = tpu.memref_slice %arg7[%dma_wait3A, %dma_wait3A_137] : memref<3x64xi32, #tpu.memory_space<vmem>> -> memref<1x64xi32, #tpu.memory_space<vmem>>
        %dma_wait3A_139 = tpu.memref_squeeze %dma_wait3A_138 : memref<1x64xi32, #tpu.memory_space<vmem>> -> memref<64xi32, #tpu.memory_space<vmem>>
        %dma_wait3A_140 = arith.constant 0 : i32
        %dma_wait3A_141 = tpu.memref_slice %arg4[%dma_wait3A_140] : memref<640000xi32, #tpu.memory_space<hbm>> -> memref<64xi32, #tpu.memory_space<hbm>>
        %dma_wait3A_142 = arith.constant 0 : i32
        %dma_wait3A_143 = tpu.memref_slice %arg7[%dma_wait3A, %dma_wait3A_142] : memref<3x64xi32, #tpu.memory_space<vmem>> -> memref<1x64xi32, #tpu.memory_space<vmem>>
        %dma_wait3A_144 = tpu.memref_squeeze %dma_wait3A_143 : memref<1x64xi32, #tpu.memory_space<vmem>> -> memref<64xi32, #tpu.memory_space<vmem>>
        %dma_wait3A_145 = arith.constant 0 : i32
        %dma_wait3A_146 = tpu.memref_slice %arg4[%dma_wait3A_145] : memref<640000xi32, #tpu.memory_space<hbm>> -> memref<64xi32, #tpu.memory_space<hbm>>
        tpu.wait_dma2 semaphore(%arg12 : memref<!tpu.dma_semaphore, #tpu.memory_space<semaphore_mem>>) src(%dma_wait3A_146 : memref<64xi32, #tpu.memory_space<hbm>>) dst(%dma_wait3A_144 : memref<64xi32, #tpu.memory_space<vmem>>)
        %dma_wait3A_147 = arith.constant 0 : i32
        %dma_wait3A_148 = arith.constant 0 : i32
        %dma_wait3A_149 = tpu.memref_slice %arg8[%dma_wait3A_147, %dma_wait3A_148] : memref<3x64xi32, #tpu.memory_space<vmem>> -> memref<1x64xi32, #tpu.memory_space<vmem>>
        %dma_wait3A_150 = tpu.memref_squeeze %dma_wait3A_149 : memref<1x64xi32, #tpu.memory_space<vmem>> -> memref<64xi32, #tpu.memory_space<vmem>>
        %dma_wait3A_151 = arith.constant 0 : i32
        %dma_wait3A_152 = tpu.memref_slice %arg4[%dma_wait3A_151] : memref<640000xi32, #tpu.memory_space<hbm>> -> memref<64xi32, #tpu.memory_space<hbm>>
        %dma_wait3A_153 = arith.constant 0 : i32
        %dma_wait3A_154 = tpu.memref_slice %arg8[%dma_wait3A_147, %dma_wait3A_153] : memref<3x64xi32, #tpu.memory_space<vmem>> -> memref<1x64xi32, #tpu.memory_space<vmem>>
        %dma_wait3A_155 = tpu.memref_squeeze %dma_wait3A_154 : memref<1x64xi32, #tpu.memory_space<vmem>> -> memref<64xi32, #tpu.memory_space<vmem>>
        %dma_wait3A_156 = arith.constant 0 : i32
        %dma_wait3A_157 = tpu.memref_slice %arg4[%dma_wait3A_156] : memref<640000xi32, #tpu.memory_space<hbm>> -> memref<64xi32, #tpu.memory_space<hbm>>
        tpu.wait_dma2 semaphore(%arg12 : memref<!tpu.dma_semaphore, #tpu.memory_space<semaphore_mem>>) src(%dma_wait3A_157 : memref<64xi32, #tpu.memory_space<hbm>>) dst(%dma_wait3A_155 : memref<64xi32, #tpu.memory_space<vmem>>)
        %dma_start3A = arith.constant 0 : i32
        %dma_start3A_158 = arith.constant 0 : i32
        %dma_start3A_159 = arith.constant 0 : i32
        %dma_start3A_160 = arith.constant 0 : i32
        %dma_start3A_161 = tpu.memref_slice %arg9[%dma_start3A_158, %dma_start3A_159, %dma_start3A_160] : memref<3x64x128xf32, #tpu.memory_space<vmem>> -> memref<1x64x128xf32, #tpu.memory_space<vmem>>
        %dma_start3A_162 = tpu.memref_squeeze %dma_start3A_161 : memref<1x64x128xf32, #tpu.memory_space<vmem>> -> memref<64x128xf32, #tpu.memory_space<vmem>>
        %dma_start3A_163 = arith.constant 0 : i32
        %dma_start3A_164 = tpu.memref_slice %arg7[%dma_start3A, %dma_start3A_163] : memref<3x64xi32, #tpu.memory_space<vmem>> -> memref<1x64xi32, #tpu.memory_space<vmem>>
        %dma_start3A_165 = tpu.memref_squeeze %dma_start3A_164 : memref<1x64xi32, #tpu.memory_space<vmem>> -> memref<64xi32, #tpu.memory_space<vmem>>
        %dma_start3A_166 = arith.constant 0 : i32
        %dma_start3A_167 = arith.constant 0 : i32
        %dma_start3A_168 = tpu.memref_slice %arg2[%dma_start3A_166, %dma_start3A_167] : memref<10000x128xf32, #tpu.memory_space<hbm>> -> memref<10000x128xf32, #tpu.memory_space<hbm>>
        tpu.enqueue_indirect_dma source(%dma_start3A_168 : memref<10000x128xf32, #tpu.memory_space<hbm>>) target(%dma_start3A_162 : memref<64x128xf32, #tpu.memory_space<vmem>>) offsets(%dma_start3A_165 : memref<64xi32, #tpu.memory_space<vmem>>) semaphore(%arg15 : memref<!tpu.dma_semaphore, #tpu.memory_space<semaphore_mem>>)
        %mul3A_169 = arith.constant 64 : i32
        %mul3A_170 = arith.muli %add3A_24, %mul3A_169 : i32
        %dma_start3A_171 = arith.constant 0 : i32
        %dma_start3A_172 = arith.constant 0 : i32
        %dma_start3A_173 = arith.constant 0 : i32
        %dma_start3A_174 = tpu.memref_slice %arg10[%dma_start3A_171, %dma_start3A_172, %dma_start3A_173] : memref<3x64x128xf32, #tpu.memory_space<vmem>> -> memref<1x64x128xf32, #tpu.memory_space<vmem>>
        %dma_start3A_175 = tpu.memref_squeeze %dma_start3A_174 : memref<1x64x128xf32, #tpu.memory_space<vmem>> -> memref<64x128xf32, #tpu.memory_space<vmem>>
        %dma_start3A_176 = arith.constant 0 : i32
        %dma_start3A_177 = tpu.memref_slice %arg3[%mul3A_170, %dma_start3A_176] : memref<320000x128xf32, #tpu.memory_space<hbm>> -> memref<64x128xf32, #tpu.memory_space<hbm>>
        %dma_start3A_178 = arith.constant 0 : i32
        %dma_start3A_179 = arith.constant 0 : i32
        %dma_start3A_180 = tpu.memref_slice %arg10[%dma_start3A_171, %dma_start3A_178, %dma_start3A_179] : memref<3x64x128xf32, #tpu.memory_space<vmem>> -> memref<1x64x128xf32, #tpu.memory_space<vmem>>
        %dma_start3A_181 = tpu.memref_squeeze %dma_start3A_180 : memref<1x64x128xf32, #tpu.memory_space<vmem>> -> memref<64x128xf32, #tpu.memory_space<vmem>>
        %dma_start3A_182 = arith.constant 0 : i32
        %dma_start3A_183 = tpu.memref_slice %arg3[%mul3A_170, %dma_start3A_182] : memref<320000x128xf32, #tpu.memory_space<hbm>> -> memref<64x128xf32, #tpu.memory_space<hbm>>
        tpu.enqueue_dma source(%dma_start3A_183 : memref<64x128xf32, #tpu.memory_space<hbm>>) target(%dma_start3A_181 : memref<64x128xf32, #tpu.memory_space<vmem>>) target_semaphore(%arg15 : memref<!tpu.dma_semaphore, #tpu.memory_space<semaphore_mem>>)
      } else {
      }
      %ge3A_47 = arith.constant 1 : i32
      %ge3A_48 = arith.cmpi sge, %add3A_21, %ge3A_47 : i32
      %sub3A_49 = arith.constant 32 : i32
      %sub3A_50 = arith.subi %add3A_24, %sub3A_49 : i32
      %lt3A_51 = arith.constant 5000 : i32
      %lt3A_52 = arith.cmpi slt, %sub3A_50, %lt3A_51 : i32
      %and3A_53 = arith.andi %ge3A_48, %lt3A_52 : i1
      %convert_element_type3A_54 = arith.extui %and3A_53 : i1 to i32
      %cond3A_55 = arith.constant 0 : i32
      %cond3A_56 = arith.cmpi ne, %convert_element_type3A_54, %cond3A_55 : i32
      scf.if %cond3A_56 {
        %dma_wait3A = arith.constant 2 : i32
        %dma_wait3A_137 = arith.constant 0 : i32
        %dma_wait3A_138 = arith.constant 0 : i32
        %dma_wait3A_139 = tpu.memref_slice %arg9[%dma_wait3A, %dma_wait3A_137, %dma_wait3A_138] : memref<3x64x128xf32, #tpu.memory_space<vmem>> -> memref<1x64x128xf32, #tpu.memory_space<vmem>>
        %dma_wait3A_140 = tpu.memref_squeeze %dma_wait3A_139 : memref<1x64x128xf32, #tpu.memory_space<vmem>> -> memref<64x128xf32, #tpu.memory_space<vmem>>
        %dma_wait3A_141 = arith.constant 0 : i32
        %dma_wait3A_142 = arith.constant 0 : i32
        %dma_wait3A_143 = tpu.memref_slice %arg3[%dma_wait3A_141, %dma_wait3A_142] : memref<320000x128xf32, #tpu.memory_space<hbm>> -> memref<64x128xf32, #tpu.memory_space<hbm>>
        %dma_wait3A_144 = arith.constant 0 : i32
        %dma_wait3A_145 = arith.constant 0 : i32
        %dma_wait3A_146 = tpu.memref_slice %arg9[%dma_wait3A, %dma_wait3A_144, %dma_wait3A_145] : memref<3x64x128xf32, #tpu.memory_space<vmem>> -> memref<1x64x128xf32, #tpu.memory_space<vmem>>
        %dma_wait3A_147 = tpu.memref_squeeze %dma_wait3A_146 : memref<1x64x128xf32, #tpu.memory_space<vmem>> -> memref<64x128xf32, #tpu.memory_space<vmem>>
        %dma_wait3A_148 = arith.constant 0 : i32
        %dma_wait3A_149 = arith.constant 0 : i32
        %dma_wait3A_150 = tpu.memref_slice %arg3[%dma_wait3A_148, %dma_wait3A_149] : memref<320000x128xf32, #tpu.memory_space<hbm>> -> memref<64x128xf32, #tpu.memory_space<hbm>>
        tpu.wait_dma2 semaphore(%arg17 : memref<!tpu.dma_semaphore, #tpu.memory_space<semaphore_mem>>) src(%dma_wait3A_150 : memref<64x128xf32, #tpu.memory_space<hbm>>) dst(%dma_wait3A_147 : memref<64x128xf32, #tpu.memory_space<vmem>>)
        %dma_wait3A_151 = arith.constant 2 : i32
        %dma_wait3A_152 = arith.constant 0 : i32
        %dma_wait3A_153 = arith.constant 0 : i32
        %dma_wait3A_154 = tpu.memref_slice %arg10[%dma_wait3A_151, %dma_wait3A_152, %dma_wait3A_153] : memref<3x64x128xf32, #tpu.memory_space<vmem>> -> memref<1x64x128xf32, #tpu.memory_space<vmem>>
        %dma_wait3A_155 = tpu.memref_squeeze %dma_wait3A_154 : memref<1x64x128xf32, #tpu.memory_space<vmem>> -> memref<64x128xf32, #tpu.memory_space<vmem>>
        %dma_wait3A_156 = arith.constant 0 : i32
        %dma_wait3A_157 = arith.constant 0 : i32
        %dma_wait3A_158 = tpu.memref_slice %arg3[%dma_wait3A_156, %dma_wait3A_157] : memref<320000x128xf32, #tpu.memory_space<hbm>> -> memref<64x128xf32, #tpu.memory_space<hbm>>
        %dma_wait3A_159 = arith.constant 0 : i32
        %dma_wait3A_160 = arith.constant 0 : i32
        %dma_wait3A_161 = tpu.memref_slice %arg10[%dma_wait3A_151, %dma_wait3A_159, %dma_wait3A_160] : memref<3x64x128xf32, #tpu.memory_space<vmem>> -> memref<1x64x128xf32, #tpu.memory_space<vmem>>
        %dma_wait3A_162 = tpu.memref_squeeze %dma_wait3A_161 : memref<1x64x128xf32, #tpu.memory_space<vmem>> -> memref<64x128xf32, #tpu.memory_space<vmem>>
        %dma_wait3A_163 = arith.constant 0 : i32
        %dma_wait3A_164 = arith.constant 0 : i32
        %dma_wait3A_165 = tpu.memref_slice %arg3[%dma_wait3A_163, %dma_wait3A_164] : memref<320000x128xf32, #tpu.memory_space<hbm>> -> memref<64x128xf32, #tpu.memory_space<hbm>>
        tpu.wait_dma2 semaphore(%arg17 : memref<!tpu.dma_semaphore, #tpu.memory_space<semaphore_mem>>) src(%dma_wait3A_165 : memref<64x128xf32, #tpu.memory_space<hbm>>) dst(%dma_wait3A_162 : memref<64x128xf32, #tpu.memory_space<vmem>>)
        %parallel_loop3A = arith.constant 0 : i32
        %parallel_loop3A_166 = arith.constant 64 : i32
        %parallel_loop3A_167 = arith.constant 1 : i32
        scf.for %parallel_loop3A_179 = %parallel_loop3A to %parallel_loop3A_166 step %parallel_loop3A_167  : i32 {
          %parallel_loop3A_180 = arith.constant 2 : i32
          %parallel_loop3A_181 = arith.index_cast %parallel_loop3A_180 : i32 to index
          %parallel_loop3A_182 = arith.index_cast %parallel_loop3A_179 : i32 to index
          %parallel_loop3A_183 = arith.constant 0 : index
          %parallel_loop3A_184 = tpu.vector_load %arg9[%parallel_loop3A_181, %parallel_loop3A_182, %parallel_loop3A_183] {strides = array<i32>} : memref<3x64x128xf32, #tpu.memory_space<vmem>>, vector<1x1x16xf32>,
          %parallel_loop3A_185 = vector.shape_cast %parallel_loop3A_184 : vector<1x1x16xf32> to vector<16xf32>
          %parallel_loop3A_186 = arith.constant 2 : i32
          %parallel_loop3A_187 = arith.index_cast %parallel_loop3A_186 : i32 to index
          %parallel_loop3A_188 = arith.index_cast %parallel_loop3A_179 : i32 to index
          %parallel_loop3A_189 = arith.constant 0 : index
          %parallel_loop3A_190 = tpu.vector_load %arg10[%parallel_loop3A_187, %parallel_loop3A_188, %parallel_loop3A_189] {strides = array<i32>} : memref<3x64x128xf32, #tpu.memory_space<vmem>>, vector<1x1x16xf32>,
          %parallel_loop3A_191 = vector.shape_cast %parallel_loop3A_190 : vector<1x1x16xf32> to vector<16xf32>
          %parallel_loop3A_192 = arith.mulf %parallel_loop3A_185, %parallel_loop3A_191 : vector<16xf32>
          %parallel_loop3A_193 = arith.constant 2 : i32
          %parallel_loop3A_194 = arith.index_cast %parallel_loop3A_193 : i32 to index
          %parallel_loop3A_195 = arith.index_cast %parallel_loop3A_179 : i32 to index
          %parallel_loop3A_196 = arith.constant 0 : index
          %parallel_loop3A_197 = tpu.vector_load %arg9[%parallel_loop3A_194, %parallel_loop3A_195, %parallel_loop3A_196] {strides = array<i32>} : memref<3x64x128xf32, #tpu.memory_space<vmem>>, vector<1x1x16xf32>,
          %parallel_loop3A_198 = vector.shape_cast %parallel_loop3A_197 : vector<1x1x16xf32> to vector<16xf32>
          %parallel_loop3A_199 = vector.shape_cast %parallel_loop3A_192 : vector<16xf32> to vector<1x1x16xf32>
          tpu.vector_store %arg9[%parallel_loop3A_194, %parallel_loop3A_195, %parallel_loop3A_196], %parallel_loop3A_199 {strides = array<i32>} : memref<3x64x128xf32, #tpu.memory_space<vmem>>, vector<1x1x16xf32>,
          %parallel_loop3A_200 = arith.constant 2 : i32
          %parallel_loop3A_201 = arith.index_cast %parallel_loop3A_200 : i32 to index
          %parallel_loop3A_202 = arith.index_cast %parallel_loop3A_179 : i32 to index
          %parallel_loop3A_203 = arith.constant 16 : index
          %parallel_loop3A_204 = tpu.vector_load %arg9[%parallel_loop3A_201, %parallel_loop3A_202, %parallel_loop3A_203] {strides = array<i32>} : memref<3x64x128xf32, #tpu.memory_space<vmem>>, vector<1x1x16xf32>,
          %parallel_loop3A_205 = vector.shape_cast %parallel_loop3A_204 : vector<1x1x16xf32> to vector<16xf32>
          %parallel_loop3A_206 = arith.constant 2 : i32
          %parallel_loop3A_207 = arith.index_cast %parallel_loop3A_206 : i32 to index
          %parallel_loop3A_208 = arith.index_cast %parallel_loop3A_179 : i32 to index
          %parallel_loop3A_209 = arith.constant 16 : index
          %parallel_loop3A_210 = tpu.vector_load %arg10[%parallel_loop3A_207, %parallel_loop3A_208, %parallel_loop3A_209] {strides = array<i32>} : memref<3x64x128xf32, #tpu.memory_space<vmem>>, vector<1x1x16xf32>,
          %parallel_loop3A_211 = vector.shape_cast %parallel_loop3A_210 : vector<1x1x16xf32> to vector<16xf32>
          %parallel_loop3A_212 = arith.mulf %parallel_loop3A_205, %parallel_loop3A_211 : vector<16xf32>
          %parallel_loop3A_213 = arith.constant 2 : i32
          %parallel_loop3A_214 = arith.index_cast %parallel_loop3A_213 : i32 to index
          %parallel_loop3A_215 = arith.index_cast %parallel_loop3A_179 : i32 to index
          %parallel_loop3A_216 = arith.constant 16 : index
          %parallel_loop3A_217 = tpu.vector_load %arg9[%parallel_loop3A_214, %parallel_loop3A_215, %parallel_loop3A_216] {strides = array<i32>} : memref<3x64x128xf32, #tpu.memory_space<vmem>>, vector<1x1x16xf32>,
          %parallel_loop3A_218 = vector.shape_cast %parallel_loop3A_217 : vector<1x1x16xf32> to vector<16xf32>
          %parallel_loop3A_219 = vector.shape_cast %parallel_loop3A_212 : vector<16xf32> to vector<1x1x16xf32>
          tpu.vector_store %arg9[%parallel_loop3A_214, %parallel_loop3A_215, %parallel_loop3A_216], %parallel_loop3A_219 {strides = array<i32>} : memref<3x64x128xf32, #tpu.memory_space<vmem>>, vector<1x1x16xf32>,
          %parallel_loop3A_220 = arith.constant 2 : i32
          %parallel_loop3A_221 = arith.index_cast %parallel_loop3A_220 : i32 to index
          %parallel_loop3A_222 = arith.index_cast %parallel_loop3A_179 : i32 to index
          %parallel_loop3A_223 = arith.constant 32 : index
          %parallel_loop3A_224 = tpu.vector_load %arg9[%parallel_loop3A_221, %parallel_loop3A_222, %parallel_loop3A_223] {strides = array<i32>} : memref<3x64x128xf32, #tpu.memory_space<vmem>>, vector<1x1x16xf32>,
          %parallel_loop3A_225 = vector.shape_cast %parallel_loop3A_224 : vector<1x1x16xf32> to vector<16xf32>
          %parallel_loop3A_226 = arith.constant 2 : i32
          %parallel_loop3A_227 = arith.index_cast %parallel_loop3A_226 : i32 to index
          %parallel_loop3A_228 = arith.index_cast %parallel_loop3A_179 : i32 to index
          %parallel_loop3A_229 = arith.constant 32 : index
          %parallel_loop3A_230 = tpu.vector_load %arg10[%parallel_loop3A_227, %parallel_loop3A_228, %parallel_loop3A_229] {strides = array<i32>} : memref<3x64x128xf32, #tpu.memory_space<vmem>>, vector<1x1x16xf32>,
          %parallel_loop3A_231 = vector.shape_cast %parallel_loop3A_230 : vector<1x1x16xf32> to vector<16xf32>
          %parallel_loop3A_232 = arith.mulf %parallel_loop3A_225, %parallel_loop3A_231 : vector<16xf32>
          %parallel_loop3A_233 = arith.constant 2 : i32
          %parallel_loop3A_234 = arith.index_cast %parallel_loop3A_233 : i32 to index
          %parallel_loop3A_235 = arith.index_cast %parallel_loop3A_179 : i32 to index
          %parallel_loop3A_236 = arith.constant 32 : index
          %parallel_loop3A_237 = tpu.vector_load %arg9[%parallel_loop3A_234, %parallel_loop3A_235, %parallel_loop3A_236] {strides = array<i32>} : memref<3x64x128xf32, #tpu.memory_space<vmem>>, vector<1x1x16xf32>,
          %parallel_loop3A_238 = vector.shape_cast %parallel_loop3A_237 : vector<1x1x16xf32> to vector<16xf32>
          %parallel_loop3A_239 = vector.shape_cast %parallel_loop3A_232 : vector<16xf32> to vector<1x1x16xf32>
          tpu.vector_store %arg9[%parallel_loop3A_234, %parallel_loop3A_235, %parallel_loop3A_236], %parallel_loop3A_239 {strides = array<i32>} : memref<3x64x128xf32, #tpu.memory_space<vmem>>, vector<1x1x16xf32>,
          %parallel_loop3A_240 = arith.constant 2 : i32
          %parallel_loop3A_241 = arith.index_cast %parallel_loop3A_240 : i32 to index
          %parallel_loop3A_242 = arith.index_cast %parallel_loop3A_179 : i32 to index
          %parallel_loop3A_243 = arith.constant 48 : index
          %parallel_loop3A_244 = tpu.vector_load %arg9[%parallel_loop3A_241, %parallel_loop3A_242, %parallel_loop3A_243] {strides = array<i32>} : memref<3x64x128xf32, #tpu.memory_space<vmem>>, vector<1x1x16xf32>,
          %parallel_loop3A_245 = vector.shape_cast %parallel_loop3A_244 : vector<1x1x16xf32> to vector<16xf32>
          %parallel_loop3A_246 = arith.constant 2 : i32
          %parallel_loop3A_247 = arith.index_cast %parallel_loop3A_246 : i32 to index
          %parallel_loop3A_248 = arith.index_cast %parallel_loop3A_179 : i32 to index
          %parallel_loop3A_249 = arith.constant 48 : index
          %parallel_loop3A_250 = tpu.vector_load %arg10[%parallel_loop3A_247, %parallel_loop3A_248, %parallel_loop3A_249] {strides = array<i32>} : memref<3x64x128xf32, #tpu.memory_space<vmem>>, vector<1x1x16xf32>,
          %parallel_loop3A_251 = vector.shape_cast %parallel_loop3A_250 : vector<1x1x16xf32> to vector<16xf32>
          %parallel_loop3A_252 = arith.mulf %parallel_loop3A_245, %parallel_loop3A_251 : vector<16xf32>
          %parallel_loop3A_253 = arith.constant 2 : i32
          %parallel_loop3A_254 = arith.index_cast %parallel_loop3A_253 : i32 to index
          %parallel_loop3A_255 = arith.index_cast %parallel_loop3A_179 : i32 to index
          %parallel_loop3A_256 = arith.constant 48 : index
          %parallel_loop3A_257 = tpu.vector_load %arg9[%parallel_loop3A_254, %parallel_loop3A_255, %parallel_loop3A_256] {strides = array<i32>} : memref<3x64x128xf32, #tpu.memory_space<vmem>>, vector<1x1x16xf32>,
          %parallel_loop3A_258 = vector.shape_cast %parallel_loop3A_257 : vector<1x1x16xf32> to vector<16xf32>
          %parallel_loop3A_259 = vector.shape_cast %parallel_loop3A_252 : vector<16xf32> to vector<1x1x16xf32>
          tpu.vector_store %arg9[%parallel_loop3A_254, %parallel_loop3A_255, %parallel_loop3A_256], %parallel_loop3A_259 {strides = array<i32>} : memref<3x64x128xf32, #tpu.memory_space<vmem>>, vector<1x1x16xf32>,
          %parallel_loop3A_260 = arith.constant 2 : i32
          %parallel_loop3A_261 = arith.index_cast %parallel_loop3A_260 : i32 to index
          %parallel_loop3A_262 = arith.index_cast %parallel_loop3A_179 : i32 to index
          %parallel_loop3A_263 = arith.constant 64 : index
          %parallel_loop3A_264 = tpu.vector_load %arg9[%parallel_loop3A_261, %parallel_loop3A_262, %parallel_loop3A_263] {strides = array<i32>} : memref<3x64x128xf32, #tpu.memory_space<vmem>>, vector<1x1x16xf32>,
          %parallel_loop3A_265 = vector.shape_cast %parallel_loop3A_264 : vector<1x1x16xf32> to vector<16xf32>
          %parallel_loop3A_266 = arith.constant 2 : i32
          %parallel_loop3A_267 = arith.index_cast %parallel_loop3A_266 : i32 to index
          %parallel_loop3A_268 = arith.index_cast %parallel_loop3A_179 : i32 to index
          %parallel_loop3A_269 = arith.constant 64 : index
          %parallel_loop3A_270 = tpu.vector_load %arg10[%parallel_loop3A_267, %parallel_loop3A_268, %parallel_loop3A_269] {strides = array<i32>} : memref<3x64x128xf32, #tpu.memory_space<vmem>>, vector<1x1x16xf32>,
          %parallel_loop3A_271 = vector.shape_cast %parallel_loop3A_270 : vector<1x1x16xf32> to vector<16xf32>
          %parallel_loop3A_272 = arith.mulf %parallel_loop3A_265, %parallel_loop3A_271 : vector<16xf32>
          %parallel_loop3A_273 = arith.constant 2 : i32
          %parallel_loop3A_274 = arith.index_cast %parallel_loop3A_273 : i32 to index
          %parallel_loop3A_275 = arith.index_cast %parallel_loop3A_179 : i32 to index
          %parallel_loop3A_276 = arith.constant 64 : index
          %parallel_loop3A_277 = tpu.vector_load %arg9[%parallel_loop3A_274, %parallel_loop3A_275, %parallel_loop3A_276] {strides = array<i32>} : memref<3x64x128xf32, #tpu.memory_space<vmem>>, vector<1x1x16xf32>,
          %parallel_loop3A_278 = vector.shape_cast %parallel_loop3A_277 : vector<1x1x16xf32> to vector<16xf32>
          %parallel_loop3A_279 = vector.shape_cast %parallel_loop3A_272 : vector<16xf32> to vector<1x1x16xf32>
          tpu.vector_store %arg9[%parallel_loop3A_274, %parallel_loop3A_275, %parallel_loop3A_276], %parallel_loop3A_279 {strides = array<i32>} : memref<3x64x128xf32, #tpu.memory_space<vmem>>, vector<1x1x16xf32>,
          %parallel_loop3A_280 = arith.constant 2 : i32
          %parallel_loop3A_281 = arith.index_cast %parallel_loop3A_280 : i32 to index
          %parallel_loop3A_282 = arith.index_cast %parallel_loop3A_179 : i32 to index
          %parallel_loop3A_283 = arith.constant 80 : index
          %parallel_loop3A_284 = tpu.vector_load %arg9[%parallel_loop3A_281, %parallel_loop3A_282, %parallel_loop3A_283] {strides = array<i32>} : memref<3x64x128xf32, #tpu.memory_space<vmem>>, vector<1x1x16xf32>,
          %parallel_loop3A_285 = vector.shape_cast %parallel_loop3A_284 : vector<1x1x16xf32> to vector<16xf32>
          %parallel_loop3A_286 = arith.constant 2 : i32
          %parallel_loop3A_287 = arith.index_cast %parallel_loop3A_286 : i32 to index
          %parallel_loop3A_288 = arith.index_cast %parallel_loop3A_179 : i32 to index
          %parallel_loop3A_289 = arith.constant 80 : index
          %parallel_loop3A_290 = tpu.vector_load %arg10[%parallel_loop3A_287, %parallel_loop3A_288, %parallel_loop3A_289] {strides = array<i32>} : memref<3x64x128xf32, #tpu.memory_space<vmem>>, vector<1x1x16xf32>,
          %parallel_loop3A_291 = vector.shape_cast %parallel_loop3A_290 : vector<1x1x16xf32> to vector<16xf32>
          %parallel_loop3A_292 = arith.mulf %parallel_loop3A_285, %parallel_loop3A_291 : vector<16xf32>
          %parallel_loop3A_293 = arith.constant 2 : i32
          %parallel_loop3A_294 = arith.index_cast %parallel_loop3A_293 : i32 to index
          %parallel_loop3A_295 = arith.index_cast %parallel_loop3A_179 : i32 to index
          %parallel_loop3A_296 = arith.constant 80 : index
          %parallel_loop3A_297 = tpu.vector_load %arg9[%parallel_loop3A_294, %parallel_loop3A_295, %parallel_loop3A_296] {strides = array<i32>} : memref<3x64x128xf32, #tpu.memory_space<vmem>>, vector<1x1x16xf32>,
          %parallel_loop3A_298 = vector.shape_cast %parallel_loop3A_297 : vector<1x1x16xf32> to vector<16xf32>
          %parallel_loop3A_299 = vector.shape_cast %parallel_loop3A_292 : vector<16xf32> to vector<1x1x16xf32>
          tpu.vector_store %arg9[%parallel_loop3A_294, %parallel_loop3A_295, %parallel_loop3A_296], %parallel_loop3A_299 {strides = array<i32>} : memref<3x64x128xf32, #tpu.memory_space<vmem>>, vector<1x1x16xf32>,
          %parallel_loop3A_300 = arith.constant 2 : i32
          %parallel_loop3A_301 = arith.index_cast %parallel_loop3A_300 : i32 to index
          %parallel_loop3A_302 = arith.index_cast %parallel_loop3A_179 : i32 to index
          %parallel_loop3A_303 = arith.constant 96 : index
          %parallel_loop3A_304 = tpu.vector_load %arg9[%parallel_loop3A_301, %parallel_loop3A_302, %parallel_loop3A_303] {strides = array<i32>} : memref<3x64x128xf32, #tpu.memory_space<vmem>>, vector<1x1x16xf32>,
          %parallel_loop3A_305 = vector.shape_cast %parallel_loop3A_304 : vector<1x1x16xf32> to vector<16xf32>
          %parallel_loop3A_306 = arith.constant 2 : i32
          %parallel_loop3A_307 = arith.index_cast %parallel_loop3A_306 : i32 to index
          %parallel_loop3A_308 = arith.index_cast %parallel_loop3A_179 : i32 to index
          %parallel_loop3A_309 = arith.constant 96 : index
          %parallel_loop3A_310 = tpu.vector_load %arg10[%parallel_loop3A_307, %parallel_loop3A_308, %parallel_loop3A_309] {strides = array<i32>} : memref<3x64x128xf32, #tpu.memory_space<vmem>>, vector<1x1x16xf32>,
          %parallel_loop3A_311 = vector.shape_cast %parallel_loop3A_310 : vector<1x1x16xf32> to vector<16xf32>
          %parallel_loop3A_312 = arith.mulf %parallel_loop3A_305, %parallel_loop3A_311 : vector<16xf32>
          %parallel_loop3A_313 = arith.constant 2 : i32
          %parallel_loop3A_314 = arith.index_cast %parallel_loop3A_313 : i32 to index
          %parallel_loop3A_315 = arith.index_cast %parallel_loop3A_179 : i32 to index
          %parallel_loop3A_316 = arith.constant 96 : index
          %parallel_loop3A_317 = tpu.vector_load %arg9[%parallel_loop3A_314, %parallel_loop3A_315, %parallel_loop3A_316] {strides = array<i32>} : memref<3x64x128xf32, #tpu.memory_space<vmem>>, vector<1x1x16xf32>,
          %parallel_loop3A_318 = vector.shape_cast %parallel_loop3A_317 : vector<1x1x16xf32> to vector<16xf32>
          %parallel_loop3A_319 = vector.shape_cast %parallel_loop3A_312 : vector<16xf32> to vector<1x1x16xf32>
          tpu.vector_store %arg9[%parallel_loop3A_314, %parallel_loop3A_315, %parallel_loop3A_316], %parallel_loop3A_319 {strides = array<i32>} : memref<3x64x128xf32, #tpu.memory_space<vmem>>, vector<1x1x16xf32>,
          %parallel_loop3A_320 = arith.constant 2 : i32
          %parallel_loop3A_321 = arith.index_cast %parallel_loop3A_320 : i32 to index
          %parallel_loop3A_322 = arith.index_cast %parallel_loop3A_179 : i32 to index
          %parallel_loop3A_323 = arith.constant 112 : index
          %parallel_loop3A_324 = tpu.vector_load %arg9[%parallel_loop3A_321, %parallel_loop3A_322, %parallel_loop3A_323] {strides = array<i32>} : memref<3x64x128xf32, #tpu.memory_space<vmem>>, vector<1x1x16xf32>,
          %parallel_loop3A_325 = vector.shape_cast %parallel_loop3A_324 : vector<1x1x16xf32> to vector<16xf32>
          %parallel_loop3A_326 = arith.constant 2 : i32
          %parallel_loop3A_327 = arith.index_cast %parallel_loop3A_326 : i32 to index
          %parallel_loop3A_328 = arith.index_cast %parallel_loop3A_179 : i32 to index
          %parallel_loop3A_329 = arith.constant 112 : index
          %parallel_loop3A_330 = tpu.vector_load %arg10[%parallel_loop3A_327, %parallel_loop3A_328, %parallel_loop3A_329] {strides = array<i32>} : memref<3x64x128xf32, #tpu.memory_space<vmem>>, vector<1x1x16xf32>,
          %parallel_loop3A_331 = vector.shape_cast %parallel_loop3A_330 : vector<1x1x16xf32> to vector<16xf32>
          %parallel_loop3A_332 = arith.mulf %parallel_loop3A_325, %parallel_loop3A_331 : vector<16xf32>
          %parallel_loop3A_333 = arith.constant 2 : i32
          %parallel_loop3A_334 = arith.index_cast %parallel_loop3A_333 : i32 to index
          %parallel_loop3A_335 = arith.index_cast %parallel_loop3A_179 : i32 to index
          %parallel_loop3A_336 = arith.constant 112 : index
          %parallel_loop3A_337 = tpu.vector_load %arg9[%parallel_loop3A_334, %parallel_loop3A_335, %parallel_loop3A_336] {strides = array<i32>} : memref<3x64x128xf32, #tpu.memory_space<vmem>>, vector<1x1x16xf32>,
          %parallel_loop3A_338 = vector.shape_cast %parallel_loop3A_337 : vector<1x1x16xf32> to vector<16xf32>
          %parallel_loop3A_339 = vector.shape_cast %parallel_loop3A_332 : vector<16xf32> to vector<1x1x16xf32>
          tpu.vector_store %arg9[%parallel_loop3A_334, %parallel_loop3A_335, %parallel_loop3A_336], %parallel_loop3A_339 {strides = array<i32>} : memref<3x64x128xf32, #tpu.memory_space<vmem>>, vector<1x1x16xf32>,
        } {sc.loop_unroll_factor = 4 : i64, sc.parallel_access}
        %dma_start3A = arith.constant 2 : i32
        %dma_start3A_168 = arith.constant 2 : i32
        %dma_start3A_169 = arith.constant 0 : i32
        %dma_start3A_170 = arith.constant 0 : i32
        %dma_start3A_171 = tpu.memref_slice %arg9[%dma_start3A, %dma_start3A_169, %dma_start3A_170] : memref<3x64x128xf32, #tpu.memory_space<vmem>> -> memref<1x64x128xf32, #tpu.memory_space<vmem>>
        %dma_start3A_172 = tpu.memref_squeeze %dma_start3A_171 : memref<1x64x128xf32, #tpu.memory_space<vmem>> -> memref<64x128xf32, #tpu.memory_space<vmem>>
        %dma_start3A_173 = arith.constant 0 : i32
        %dma_start3A_174 = tpu.memref_slice %arg8[%dma_start3A_168, %dma_start3A_173] : memref<3x64xi32, #tpu.memory_space<vmem>> -> memref<1x64xi32, #tpu.memory_space<vmem>>
        %dma_start3A_175 = tpu.memref_squeeze %dma_start3A_174 : memref<1x64xi32, #tpu.memory_space<vmem>> -> memref<64xi32, #tpu.memory_space<vmem>>
        %dma_start3A_176 = arith.constant 0 : i32
        %dma_start3A_177 = arith.constant 0 : i32
        %dma_start3A_178 = tpu.memref_slice %arg11[%dma_start3A_176, %dma_start3A_177] : memref<10112x128xf32, #tpu.memory_space<vmem_shared>> -> memref<10112x128xf32, #tpu.memory_space<vmem_shared>>
        tpu.enqueue_indirect_dma source(%dma_start3A_172 : memref<64x128xf32, #tpu.memory_space<vmem>>) target(%dma_start3A_178 : memref<10112x128xf32, #tpu.memory_space<vmem_shared>>) offsets(%dma_start3A_175 : memref<64xi32, #tpu.memory_space<vmem>>) semaphore(%arg20 : memref<!tpu.dma_semaphore, #tpu.memory_space<semaphore_mem>>) {add = true}
      } else {
      }
      %add3A_57 = arith.constant 1 : i32
      %add3A_58 = arith.addi %mul3A_19, %add3A_57 : i32
      %mul3A_59 = arith.constant 32 : i32
      %mul3A_60 = arith.muli %add3A_58, %mul3A_59 : i32
      %add3A_61 = arith.addi %mul3A_60, %add3A : i32
      %ge3A_62 = arith.constant 2 : i32
      %ge3A_63 = arith.cmpi sge, %add3A_58, %ge3A_62 : i32
      %sub3A_64 = arith.constant 64 : i32
      %sub3A_65 = arith.subi %add3A_61, %sub3A_64 : i32
      %lt3A_66 = arith.constant 5000 : i32
      %lt3A_67 = arith.cmpi slt, %sub3A_65, %lt3A_66 : i32
      %and3A_68 = arith.andi %ge3A_63, %lt3A_67 : i1
      %convert_element_type3A_69 = arith.extui %and3A_68 : i1 to i32
      %cond3A_70 = arith.constant 0 : i32
      %cond3A_71 = arith.cmpi ne, %convert_element_type3A_69, %cond3A_70 : i32
      scf.if %cond3A_71 {
        %dma_wait3A = arith.constant 2 : i32
        %dma_wait3A_137 = arith.constant 0 : i32
        %dma_wait3A_138 = arith.constant 0 : i32
        %dma_wait3A_139 = tpu.memref_slice %arg9[%dma_wait3A, %dma_wait3A_137, %dma_wait3A_138] : memref<3x64x128xf32, #tpu.memory_space<vmem>> -> memref<1x64x128xf32, #tpu.memory_space<vmem>>
        %dma_wait3A_140 = tpu.memref_squeeze %dma_wait3A_139 : memref<1x64x128xf32, #tpu.memory_space<vmem>> -> memref<64x128xf32, #tpu.memory_space<vmem>>
        %dma_wait3A_141 = arith.constant 0 : i32
        %dma_wait3A_142 = arith.constant 0 : i32
        %dma_wait3A_143 = tpu.memref_slice %arg6[%arg0, %dma_wait3A_141, %dma_wait3A_142] : memref<2x10112x128xf32, #tpu.memory_space<hbm>> -> memref<1x64x128xf32, #tpu.memory_space<hbm>>
        %dma_wait3A_144 = tpu.memref_squeeze %dma_wait3A_143 : memref<1x64x128xf32, #tpu.memory_space<hbm>> -> memref<64x128xf32, #tpu.memory_space<hbm>>
        %dma_wait3A_145 = arith.constant 0 : i32
        %dma_wait3A_146 = arith.constant 0 : i32
        %dma_wait3A_147 = tpu.memref_slice %arg9[%dma_wait3A, %dma_wait3A_145, %dma_wait3A_146] : memref<3x64x128xf32, #tpu.memory_space<vmem>> -> memref<1x64x128xf32, #tpu.memory_space<vmem>>
        %dma_wait3A_148 = tpu.memref_squeeze %dma_wait3A_147 : memref<1x64x128xf32, #tpu.memory_space<vmem>> -> memref<64x128xf32, #tpu.memory_space<vmem>>
        %dma_wait3A_149 = arith.constant 0 : i32
        %dma_wait3A_150 = arith.constant 0 : i32
        %dma_wait3A_151 = tpu.memref_slice %arg6[%arg0, %dma_wait3A_149, %dma_wait3A_150] : memref<2x10112x128xf32, #tpu.memory_space<hbm>> -> memref<1x64x128xf32, #tpu.memory_space<hbm>>
        %dma_wait3A_152 = tpu.memref_squeeze %dma_wait3A_151 : memref<1x64x128xf32, #tpu.memory_space<hbm>> -> memref<64x128xf32, #tpu.memory_space<hbm>>
        tpu.wait_dma2 semaphore(%arg20 : memref<!tpu.dma_semaphore, #tpu.memory_space<semaphore_mem>>) src(%dma_wait3A_152 : memref<64x128xf32, #tpu.memory_space<hbm>>) dst(%dma_wait3A_148 : memref<64x128xf32, #tpu.memory_space<vmem>>)
      } else {
      }
      %add3A_72 = arith.constant 1 : i32
      %add3A_73 = arith.addi %add3A_58, %add3A_72 : i32
      %mul3A_74 = arith.constant 32 : i32
      %mul3A_75 = arith.muli %add3A_73, %mul3A_74 : i32
      %add3A_76 = arith.addi %mul3A_75, %add3A : i32
      %lt3A_77 = arith.constant 5000 : i32
      %lt3A_78 = arith.cmpi slt, %add3A_76, %lt3A_77 : i32
      %convert_element_type3A_79 = arith.extui %lt3A_78 : i1 to i32
      %cond3A_80 = arith.constant 0 : i32
      %cond3A_81 = arith.cmpi ne, %convert_element_type3A_79, %cond3A_80 : i32
      scf.if %cond3A_81 {
        %mul3A_137 = arith.constant 64 : i32
        %mul3A_138 = arith.muli %add3A_76, %mul3A_137 : i32
        %dma_start3A = arith.constant 2 : i32
        %dma_start3A_139 = arith.constant 0 : i32
        %dma_start3A_140 = tpu.memref_slice %arg7[%dma_start3A, %dma_start3A_139] : memref<3x64xi32, #tpu.memory_space<vmem>> -> memref<1x64xi32, #tpu.memory_space<vmem>>
        %dma_start3A_141 = tpu.memref_squeeze %dma_start3A_140 : memref<1x64xi32, #tpu.memory_space<vmem>> -> memref<64xi32, #tpu.memory_space<vmem>>
        %dma_start3A_142 = tpu.memref_slice %arg4[%mul3A_138] : memref<640000xi32, #tpu.memory_space<hbm>> -> memref<64xi32, #tpu.memory_space<hbm>>
        %dma_start3A_143 = arith.constant 0 : i32
        %dma_start3A_144 = tpu.memref_slice %arg7[%dma_start3A, %dma_start3A_143] : memref<3x64xi32, #tpu.memory_space<vmem>> -> memref<1x64xi32, #tpu.memory_space<vmem>>
        %dma_start3A_145 = tpu.memref_squeeze %dma_start3A_144 : memref<1x64xi32, #tpu.memory_space<vmem>> -> memref<64xi32, #tpu.memory_space<vmem>>
        %dma_start3A_146 = tpu.memref_slice %arg4[%mul3A_138] : memref<640000xi32, #tpu.memory_space<hbm>> -> memref<64xi32, #tpu.memory_space<hbm>>
        tpu.enqueue_dma source(%dma_start3A_146 : memref<64xi32, #tpu.memory_space<hbm>>) target(%dma_start3A_145 : memref<64xi32, #tpu.memory_space<vmem>>) target_semaphore(%arg14 : memref<!tpu.dma_semaphore, #tpu.memory_space<semaphore_mem>>)
        %add3A_147 = arith.constant 320000 : i32
        %add3A_148 = arith.addi %add3A_147, %mul3A_138 : i32
        %dma_start3A_149 = arith.constant 2 : i32
        %dma_start3A_150 = arith.constant 0 : i32
        %dma_start3A_151 = tpu.memref_slice %arg8[%dma_start3A_149, %dma_start3A_150] : memref<3x64xi32, #tpu.memory_space<vmem>> -> memref<1x64xi32, #tpu.memory_space<vmem>>
        %dma_start3A_152 = tpu.memref_squeeze %dma_start3A_151 : memref<1x64xi32, #tpu.memory_space<vmem>> -> memref<64xi32, #tpu.memory_space<vmem>>
        %dma_start3A_153 = tpu.memref_slice %arg4[%add3A_148] : memref<640000xi32, #tpu.memory_space<hbm>> -> memref<64xi32, #tpu.memory_space<hbm>>
        %dma_start3A_154 = arith.constant 0 : i32
        %dma_start3A_155 = tpu.memref_slice %arg8[%dma_start3A_149, %dma_start3A_154] : memref<3x64xi32, #tpu.memory_space<vmem>> -> memref<1x64xi32, #tpu.memory_space<vmem>>
        %dma_start3A_156 = tpu.memref_squeeze %dma_start3A_155 : memref<1x64xi32, #tpu.memory_space<vmem>> -> memref<64xi32, #tpu.memory_space<vmem>>
        %dma_start3A_157 = tpu.memref_slice %arg4[%add3A_148] : memref<640000xi32, #tpu.memory_space<hbm>> -> memref<64xi32, #tpu.memory_space<hbm>>
        tpu.enqueue_dma source(%dma_start3A_157 : memref<64xi32, #tpu.memory_space<hbm>>) target(%dma_start3A_156 : memref<64xi32, #tpu.memory_space<vmem>>) target_semaphore(%arg14 : memref<!tpu.dma_semaphore, #tpu.memory_space<semaphore_mem>>)
      } else {
      }
      %lt3A_82 = arith.constant 5000 : i32
      %lt3A_83 = arith.cmpi slt, %add3A_61, %lt3A_82 : i32
      %convert_element_type3A_84 = arith.extui %lt3A_83 : i1 to i32
      %cond3A_85 = arith.constant 0 : i32
      %cond3A_86 = arith.cmpi ne, %convert_element_type3A_84, %cond3A_85 : i32
      scf.if %cond3A_86 {
        %dma_wait3A = arith.constant 1 : i32
        %dma_wait3A_137 = arith.constant 0 : i32
        %dma_wait3A_138 = tpu.memref_slice %arg7[%dma_wait3A, %dma_wait3A_137] : memref<3x64xi32, #tpu.memory_space<vmem>> -> memref<1x64xi32, #tpu.memory_space<vmem>>
        %dma_wait3A_139 = tpu.memref_squeeze %dma_wait3A_138 : memref<1x64xi32, #tpu.memory_space<vmem>> -> memref<64xi32, #tpu.memory_space<vmem>>
        %dma_wait3A_140 = arith.constant 0 : i32
        %dma_wait3A_141 = tpu.memref_slice %arg4[%dma_wait3A_140] : memref<640000xi32, #tpu.memory_space<hbm>> -> memref<64xi32, #tpu.memory_space<hbm>>
        %dma_wait3A_142 = arith.constant 0 : i32
        %dma_wait3A_143 = tpu.memref_slice %arg7[%dma_wait3A, %dma_wait3A_142] : memref<3x64xi32, #tpu.memory_space<vmem>> -> memref<1x64xi32, #tpu.memory_space<vmem>>
        %dma_wait3A_144 = tpu.memref_squeeze %dma_wait3A_143 : memref<1x64xi32, #tpu.memory_space<vmem>> -> memref<64xi32, #tpu.memory_space<vmem>>
        %dma_wait3A_145 = arith.constant 0 : i32
        %dma_wait3A_146 = tpu.memref_slice %arg4[%dma_wait3A_145] : memref<640000xi32, #tpu.memory_space<hbm>> -> memref<64xi32, #tpu.memory_space<hbm>>
        tpu.wait_dma2 semaphore(%arg13 : memref<!tpu.dma_semaphore, #tpu.memory_space<semaphore_mem>>) src(%dma_wait3A_146 : memref<64xi32, #tpu.memory_space<hbm>>) dst(%dma_wait3A_144 : memref<64xi32, #tpu.memory_space<vmem>>)
        %dma_wait3A_147 = arith.constant 1 : i32
        %dma_wait3A_148 = arith.constant 0 : i32
        %dma_wait3A_149 = tpu.memref_slice %arg8[%dma_wait3A_147, %dma_wait3A_148] : memref<3x64xi32, #tpu.memory_space<vmem>> -> memref<1x64xi32, #tpu.memory_space<vmem>>
        %dma_wait3A_150 = tpu.memref_squeeze %dma_wait3A_149 : memref<1x64xi32, #tpu.memory_space<vmem>> -> memref<64xi32, #tpu.memory_space<vmem>>
        %dma_wait3A_151 = arith.constant 0 : i32
        %dma_wait3A_152 = tpu.memref_slice %arg4[%dma_wait3A_151] : memref<640000xi32, #tpu.memory_space<hbm>> -> memref<64xi32, #tpu.memory_space<hbm>>
        %dma_wait3A_153 = arith.constant 0 : i32
        %dma_wait3A_154 = tpu.memref_slice %arg8[%dma_wait3A_147, %dma_wait3A_153] : memref<3x64xi32, #tpu.memory_space<vmem>> -> memref<1x64xi32, #tpu.memory_space<vmem>>
        %dma_wait3A_155 = tpu.memref_squeeze %dma_wait3A_154 : memref<1x64xi32, #tpu.memory_space<vmem>> -> memref<64xi32, #tpu.memory_space<vmem>>
        %dma_wait3A_156 = arith.constant 0 : i32
        %dma_wait3A_157 = tpu.memref_slice %arg4[%dma_wait3A_156] : memref<640000xi32, #tpu.memory_space<hbm>> -> memref<64xi32, #tpu.memory_space<hbm>>
        tpu.wait_dma2 semaphore(%arg13 : memref<!tpu.dma_semaphore, #tpu.memory_space<semaphore_mem>>) src(%dma_wait3A_157 : memref<64xi32, #tpu.memory_space<hbm>>) dst(%dma_wait3A_155 : memref<64xi32, #tpu.memory_space<vmem>>)
        %dma_start3A = arith.constant 1 : i32
        %dma_start3A_158 = arith.constant 1 : i32
        %dma_start3A_159 = arith.constant 0 : i32
        %dma_start3A_160 = arith.constant 0 : i32
        %dma_start3A_161 = tpu.memref_slice %arg9[%dma_start3A_158, %dma_start3A_159, %dma_start3A_160] : memref<3x64x128xf32, #tpu.memory_space<vmem>> -> memref<1x64x128xf32, #tpu.memory_space<vmem>>
        %dma_start3A_162 = tpu.memref_squeeze %dma_start3A_161 : memref<1x64x128xf32, #tpu.memory_space<vmem>> -> memref<64x128xf32, #tpu.memory_space<vmem>>
        %dma_start3A_163 = arith.constant 0 : i32
        %dma_start3A_164 = tpu.memref_slice %arg7[%dma_start3A, %dma_start3A_163] : memref<3x64xi32, #tpu.memory_space<vmem>> -> memref<1x64xi32, #tpu.memory_space<vmem>>
        %dma_start3A_165 = tpu.memref_squeeze %dma_start3A_164 : memref<1x64xi32, #tpu.memory_space<vmem>> -> memref<64xi32, #tpu.memory_space<vmem>>
        %dma_start3A_166 = arith.constant 0 : i32
        %dma_start3A_167 = arith.constant 0 : i32
        %dma_start3A_168 = tpu.memref_slice %arg2[%dma_start3A_166, %dma_start3A_167] : memref<10000x128xf32, #tpu.memory_space<hbm>> -> memref<10000x128xf32, #tpu.memory_space<hbm>>
        tpu.enqueue_indirect_dma source(%dma_start3A_168 : memref<10000x128xf32, #tpu.memory_space<hbm>>) target(%dma_start3A_162 : memref<64x128xf32, #tpu.memory_space<vmem>>) offsets(%dma_start3A_165 : memref<64xi32, #tpu.memory_space<vmem>>) semaphore(%arg16 : memref<!tpu.dma_semaphore, #tpu.memory_space<semaphore_mem>>)
        %mul3A_169 = arith.constant 64 : i32
        %mul3A_170 = arith.muli %add3A_61, %mul3A_169 : i32
        %dma_start3A_171 = arith.constant 1 : i32
        %dma_start3A_172 = arith.constant 0 : i32
        %dma_start3A_173 = arith.constant 0 : i32
        %dma_start3A_174 = tpu.memref_slice %arg10[%dma_start3A_171, %dma_start3A_172, %dma_start3A_173] : memref<3x64x128xf32, #tpu.memory_space<vmem>> -> memref<1x64x128xf32, #tpu.memory_space<vmem>>
        %dma_start3A_175 = tpu.memref_squeeze %dma_start3A_174 : memref<1x64x128xf32, #tpu.memory_space<vmem>> -> memref<64x128xf32, #tpu.memory_space<vmem>>
        %dma_start3A_176 = arith.constant 0 : i32
        %dma_start3A_177 = tpu.memref_slice %arg3[%mul3A_170, %dma_start3A_176] : memref<320000x128xf32, #tpu.memory_space<hbm>> -> memref<64x128xf32, #tpu.memory_space<hbm>>
        %dma_start3A_178 = arith.constant 0 : i32
        %dma_start3A_179 = arith.constant 0 : i32
        %dma_start3A_180 = tpu.memref_slice %arg10[%dma_start3A_171, %dma_start3A_178, %dma_start3A_179] : memref<3x64x128xf32, #tpu.memory_space<vmem>> -> memref<1x64x128xf32, #tpu.memory_space<vmem>>
        %dma_start3A_181 = tpu.memref_squeeze %dma_start3A_180 : memref<1x64x128xf32, #tpu.memory_space<vmem>> -> memref<64x128xf32, #tpu.memory_space<vmem>>
        %dma_start3A_182 = arith.constant 0 : i32
        %dma_start3A_183 = tpu.memref_slice %arg3[%mul3A_170, %dma_start3A_182] : memref<320000x128xf32, #tpu.memory_space<hbm>> -> memref<64x128xf32, #tpu.memory_space<hbm>>
        tpu.enqueue_dma source(%dma_start3A_183 : memref<64x128xf32, #tpu.memory_space<hbm>>) target(%dma_start3A_181 : memref<64x128xf32, #tpu.memory_space<vmem>>) target_semaphore(%arg16 : memref<!tpu.dma_semaphore, #tpu.memory_space<semaphore_mem>>)
      } else {
      }
      %ge3A_87 = arith.constant 1 : i32
      %ge3A_88 = arith.cmpi sge, %add3A_58, %ge3A_87 : i32
      %sub3A_89 = arith.constant 32 : i32
      %sub3A_90 = arith.subi %add3A_61, %sub3A_89 : i32
      %lt3A_91 = arith.constant 5000 : i32
      %lt3A_92 = arith.cmpi slt, %sub3A_90, %lt3A_91 : i32
      %and3A_93 = arith.andi %ge3A_88, %lt3A_92 : i1
      %convert_element_type3A_94 = arith.extui %and3A_93 : i1 to i32
      %cond3A_95 = arith.constant 0 : i32
      %cond3A_96 = arith.cmpi ne, %convert_element_type3A_94, %cond3A_95 : i32
      scf.if %cond3A_96 {
        %dma_wait3A = arith.constant 0 : i32
        %dma_wait3A_137 = arith.constant 0 : i32
        %dma_wait3A_138 = arith.constant 0 : i32
        %dma_wait3A_139 = tpu.memref_slice %arg9[%dma_wait3A, %dma_wait3A_137, %dma_wait3A_138] : memref<3x64x128xf32, #tpu.memory_space<vmem>> -> memref<1x64x128xf32, #tpu.memory_space<vmem>>
        %dma_wait3A_140 = tpu.memref_squeeze %dma_wait3A_139 : memref<1x64x128xf32, #tpu.memory_space<vmem>> -> memref<64x128xf32, #tpu.memory_space<vmem>>
        %dma_wait3A_141 = arith.constant 0 : i32
        %dma_wait3A_142 = arith.constant 0 : i32
        %dma_wait3A_143 = tpu.memref_slice %arg3[%dma_wait3A_141, %dma_wait3A_142] : memref<320000x128xf32, #tpu.memory_space<hbm>> -> memref<64x128xf32, #tpu.memory_space<hbm>>
        %dma_wait3A_144 = arith.constant 0 : i32
        %dma_wait3A_145 = arith.constant 0 : i32
        %dma_wait3A_146 = tpu.memref_slice %arg9[%dma_wait3A, %dma_wait3A_144, %dma_wait3A_145] : memref<3x64x128xf32, #tpu.memory_space<vmem>> -> memref<1x64x128xf32, #tpu.memory_space<vmem>>
        %dma_wait3A_147 = tpu.memref_squeeze %dma_wait3A_146 : memref<1x64x128xf32, #tpu.memory_space<vmem>> -> memref<64x128xf32, #tpu.memory_space<vmem>>
        %dma_wait3A_148 = arith.constant 0 : i32
        %dma_wait3A_149 = arith.constant 0 : i32
        %dma_wait3A_150 = tpu.memref_slice %arg3[%dma_wait3A_148, %dma_wait3A_149] : memref<320000x128xf32, #tpu.memory_space<hbm>> -> memref<64x128xf32, #tpu.memory_space<hbm>>
        tpu.wait_dma2 semaphore(%arg15 : memref<!tpu.dma_semaphore, #tpu.memory_space<semaphore_mem>>) src(%dma_wait3A_150 : memref<64x128xf32, #tpu.memory_space<hbm>>) dst(%dma_wait3A_147 : memref<64x128xf32, #tpu.memory_space<vmem>>)
        %dma_wait3A_151 = arith.constant 0 : i32
        %dma_wait3A_152 = arith.constant 0 : i32
        %dma_wait3A_153 = arith.constant 0 : i32
        %dma_wait3A_154 = tpu.memref_slice %arg10[%dma_wait3A_151, %dma_wait3A_152, %dma_wait3A_153] : memref<3x64x128xf32, #tpu.memory_space<vmem>> -> memref<1x64x128xf32, #tpu.memory_space<vmem>>
        %dma_wait3A_155 = tpu.memref_squeeze %dma_wait3A_154 : memref<1x64x128xf32, #tpu.memory_space<vmem>> -> memref<64x128xf32, #tpu.memory_space<vmem>>
        %dma_wait3A_156 = arith.constant 0 : i32
        %dma_wait3A_157 = arith.constant 0 : i32
        %dma_wait3A_158 = tpu.memref_slice %arg3[%dma_wait3A_156, %dma_wait3A_157] : memref<320000x128xf32, #tpu.memory_space<hbm>> -> memref<64x128xf32, #tpu.memory_space<hbm>>
        %dma_wait3A_159 = arith.constant 0 : i32
        %dma_wait3A_160 = arith.constant 0 : i32
        %dma_wait3A_161 = tpu.memref_slice %arg10[%dma_wait3A_151, %dma_wait3A_159, %dma_wait3A_160] : memref<3x64x128xf32, #tpu.memory_space<vmem>> -> memref<1x64x128xf32, #tpu.memory_space<vmem>>
        %dma_wait3A_162 = tpu.memref_squeeze %dma_wait3A_161 : memref<1x64x128xf32, #tpu.memory_space<vmem>> -> memref<64x128xf32, #tpu.memory_space<vmem>>
        %dma_wait3A_163 = arith.constant 0 : i32
        %dma_wait3A_164 = arith.constant 0 : i32
        %dma_wait3A_165 = tpu.memref_slice %arg3[%dma_wait3A_163, %dma_wait3A_164] : memref<320000x128xf32, #tpu.memory_space<hbm>> -> memref<64x128xf32, #tpu.memory_space<hbm>>
        tpu.wait_dma2 semaphore(%arg15 : memref<!tpu.dma_semaphore, #tpu.memory_space<semaphore_mem>>) src(%dma_wait3A_165 : memref<64x128xf32, #tpu.memory_space<hbm>>) dst(%dma_wait3A_162 : memref<64x128xf32, #tpu.memory_space<vmem>>)
        %parallel_loop3A = arith.constant 0 : i32
        %parallel_loop3A_166 = arith.constant 64 : i32
        %parallel_loop3A_167 = arith.constant 1 : i32
        scf.for %parallel_loop3A_179 = %parallel_loop3A to %parallel_loop3A_166 step %parallel_loop3A_167  : i32 {
          %parallel_loop3A_180 = arith.constant 0 : i32
          %parallel_loop3A_181 = arith.index_cast %parallel_loop3A_180 : i32 to index
          %parallel_loop3A_182 = arith.index_cast %parallel_loop3A_179 : i32 to index
          %parallel_loop3A_183 = arith.constant 0 : index
          %parallel_loop3A_184 = tpu.vector_load %arg9[%parallel_loop3A_181, %parallel_loop3A_182, %parallel_loop3A_183] {strides = array<i32>} : memref<3x64x128xf32, #tpu.memory_space<vmem>>, vector<1x1x16xf32>,
          %parallel_loop3A_185 = vector.shape_cast %parallel_loop3A_184 : vector<1x1x16xf32> to vector<16xf32>
          %parallel_loop3A_186 = arith.constant 0 : i32
          %parallel_loop3A_187 = arith.index_cast %parallel_loop3A_186 : i32 to index
          %parallel_loop3A_188 = arith.index_cast %parallel_loop3A_179 : i32 to index
          %parallel_loop3A_189 = arith.constant 0 : index
          %parallel_loop3A_190 = tpu.vector_load %arg10[%parallel_loop3A_187, %parallel_loop3A_188, %parallel_loop3A_189] {strides = array<i32>} : memref<3x64x128xf32, #tpu.memory_space<vmem>>, vector<1x1x16xf32>,
          %parallel_loop3A_191 = vector.shape_cast %parallel_loop3A_190 : vector<1x1x16xf32> to vector<16xf32>
          %parallel_loop3A_192 = arith.mulf %parallel_loop3A_185, %parallel_loop3A_191 : vector<16xf32>
          %parallel_loop3A_193 = arith.constant 0 : i32
          %parallel_loop3A_194 = arith.index_cast %parallel_loop3A_193 : i32 to index
          %parallel_loop3A_195 = arith.index_cast %parallel_loop3A_179 : i32 to index
          %parallel_loop3A_196 = arith.constant 0 : index
          %parallel_loop3A_197 = tpu.vector_load %arg9[%parallel_loop3A_194, %parallel_loop3A_195, %parallel_loop3A_196] {strides = array<i32>} : memref<3x64x128xf32, #tpu.memory_space<vmem>>, vector<1x1x16xf32>,
          %parallel_loop3A_198 = vector.shape_cast %parallel_loop3A_197 : vector<1x1x16xf32> to vector<16xf32>
          %parallel_loop3A_199 = vector.shape_cast %parallel_loop3A_192 : vector<16xf32> to vector<1x1x16xf32>
          tpu.vector_store %arg9[%parallel_loop3A_194, %parallel_loop3A_195, %parallel_loop3A_196], %parallel_loop3A_199 {strides = array<i32>} : memref<3x64x128xf32, #tpu.memory_space<vmem>>, vector<1x1x16xf32>,
          %parallel_loop3A_200 = arith.constant 0 : i32
          %parallel_loop3A_201 = arith.index_cast %parallel_loop3A_200 : i32 to index
          %parallel_loop3A_202 = arith.index_cast %parallel_loop3A_179 : i32 to index
          %parallel_loop3A_203 = arith.constant 16 : index
          %parallel_loop3A_204 = tpu.vector_load %arg9[%parallel_loop3A_201, %parallel_loop3A_202, %parallel_loop3A_203] {strides = array<i32>} : memref<3x64x128xf32, #tpu.memory_space<vmem>>, vector<1x1x16xf32>,
          %parallel_loop3A_205 = vector.shape_cast %parallel_loop3A_204 : vector<1x1x16xf32> to vector<16xf32>
          %parallel_loop3A_206 = arith.constant 0 : i32
          %parallel_loop3A_207 = arith.index_cast %parallel_loop3A_206 : i32 to index
          %parallel_loop3A_208 = arith.index_cast %parallel_loop3A_179 : i32 to index
          %parallel_loop3A_209 = arith.constant 16 : index
          %parallel_loop3A_210 = tpu.vector_load %arg10[%parallel_loop3A_207, %parallel_loop3A_208, %parallel_loop3A_209] {strides = array<i32>} : memref<3x64x128xf32, #tpu.memory_space<vmem>>, vector<1x1x16xf32>,
          %parallel_loop3A_211 = vector.shape_cast %parallel_loop3A_210 : vector<1x1x16xf32> to vector<16xf32>
          %parallel_loop3A_212 = arith.mulf %parallel_loop3A_205, %parallel_loop3A_211 : vector<16xf32>
          %parallel_loop3A_213 = arith.constant 0 : i32
          %parallel_loop3A_214 = arith.index_cast %parallel_loop3A_213 : i32 to index
          %parallel_loop3A_215 = arith.index_cast %parallel_loop3A_179 : i32 to index
          %parallel_loop3A_216 = arith.constant 16 : index
          %parallel_loop3A_217 = tpu.vector_load %arg9[%parallel_loop3A_214, %parallel_loop3A_215, %parallel_loop3A_216] {strides = array<i32>} : memref<3x64x128xf32, #tpu.memory_space<vmem>>, vector<1x1x16xf32>,
          %parallel_loop3A_218 = vector.shape_cast %parallel_loop3A_217 : vector<1x1x16xf32> to vector<16xf32>
          %parallel_loop3A_219 = vector.shape_cast %parallel_loop3A_212 : vector<16xf32> to vector<1x1x16xf32>
          tpu.vector_store %arg9[%parallel_loop3A_214, %parallel_loop3A_215, %parallel_loop3A_216], %parallel_loop3A_219 {strides = array<i32>} : memref<3x64x128xf32, #tpu.memory_space<vmem>>, vector<1x1x16xf32>,
          %parallel_loop3A_220 = arith.constant 0 : i32
          %parallel_loop3A_221 = arith.index_cast %parallel_loop3A_220 : i32 to index
          %parallel_loop3A_222 = arith.index_cast %parallel_loop3A_179 : i32 to index
          %parallel_loop3A_223 = arith.constant 32 : index
          %parallel_loop3A_224 = tpu.vector_load %arg9[%parallel_loop3A_221, %parallel_loop3A_222, %parallel_loop3A_223] {strides = array<i32>} : memref<3x64x128xf32, #tpu.memory_space<vmem>>, vector<1x1x16xf32>,
          %parallel_loop3A_225 = vector.shape_cast %parallel_loop3A_224 : vector<1x1x16xf32> to vector<16xf32>
          %parallel_loop3A_226 = arith.constant 0 : i32
          %parallel_loop3A_227 = arith.index_cast %parallel_loop3A_226 : i32 to index
          %parallel_loop3A_228 = arith.index_cast %parallel_loop3A_179 : i32 to index
          %parallel_loop3A_229 = arith.constant 32 : index
          %parallel_loop3A_230 = tpu.vector_load %arg10[%parallel_loop3A_227, %parallel_loop3A_228, %parallel_loop3A_229] {strides = array<i32>} : memref<3x64x128xf32, #tpu.memory_space<vmem>>, vector<1x1x16xf32>,
          %parallel_loop3A_231 = vector.shape_cast %parallel_loop3A_230 : vector<1x1x16xf32> to vector<16xf32>
          %parallel_loop3A_232 = arith.mulf %parallel_loop3A_225, %parallel_loop3A_231 : vector<16xf32>
          %parallel_loop3A_233 = arith.constant 0 : i32
          %parallel_loop3A_234 = arith.index_cast %parallel_loop3A_233 : i32 to index
          %parallel_loop3A_235 = arith.index_cast %parallel_loop3A_179 : i32 to index
          %parallel_loop3A_236 = arith.constant 32 : index
          %parallel_loop3A_237 = tpu.vector_load %arg9[%parallel_loop3A_234, %parallel_loop3A_235, %parallel_loop3A_236] {strides = array<i32>} : memref<3x64x128xf32, #tpu.memory_space<vmem>>, vector<1x1x16xf32>,
          %parallel_loop3A_238 = vector.shape_cast %parallel_loop3A_237 : vector<1x1x16xf32> to vector<16xf32>
          %parallel_loop3A_239 = vector.shape_cast %parallel_loop3A_232 : vector<16xf32> to vector<1x1x16xf32>
          tpu.vector_store %arg9[%parallel_loop3A_234, %parallel_loop3A_235, %parallel_loop3A_236], %parallel_loop3A_239 {strides = array<i32>} : memref<3x64x128xf32, #tpu.memory_space<vmem>>, vector<1x1x16xf32>,
          %parallel_loop3A_240 = arith.constant 0 : i32
          %parallel_loop3A_241 = arith.index_cast %parallel_loop3A_240 : i32 to index
          %parallel_loop3A_242 = arith.index_cast %parallel_loop3A_179 : i32 to index
          %parallel_loop3A_243 = arith.constant 48 : index
          %parallel_loop3A_244 = tpu.vector_load %arg9[%parallel_loop3A_241, %parallel_loop3A_242, %parallel_loop3A_243] {strides = array<i32>} : memref<3x64x128xf32, #tpu.memory_space<vmem>>, vector<1x1x16xf32>,
          %parallel_loop3A_245 = vector.shape_cast %parallel_loop3A_244 : vector<1x1x16xf32> to vector<16xf32>
          %parallel_loop3A_246 = arith.constant 0 : i32
          %parallel_loop3A_247 = arith.index_cast %parallel_loop3A_246 : i32 to index
          %parallel_loop3A_248 = arith.index_cast %parallel_loop3A_179 : i32 to index
          %parallel_loop3A_249 = arith.constant 48 : index
          %parallel_loop3A_250 = tpu.vector_load %arg10[%parallel_loop3A_247, %parallel_loop3A_248, %parallel_loop3A_249] {strides = array<i32>} : memref<3x64x128xf32, #tpu.memory_space<vmem>>, vector<1x1x16xf32>,
          %parallel_loop3A_251 = vector.shape_cast %parallel_loop3A_250 : vector<1x1x16xf32> to vector<16xf32>
          %parallel_loop3A_252 = arith.mulf %parallel_loop3A_245, %parallel_loop3A_251 : vector<16xf32>
          %parallel_loop3A_253 = arith.constant 0 : i32
          %parallel_loop3A_254 = arith.index_cast %parallel_loop3A_253 : i32 to index
          %parallel_loop3A_255 = arith.index_cast %parallel_loop3A_179 : i32 to index
          %parallel_loop3A_256 = arith.constant 48 : index
          %parallel_loop3A_257 = tpu.vector_load %arg9[%parallel_loop3A_254, %parallel_loop3A_255, %parallel_loop3A_256] {strides = array<i32>} : memref<3x64x128xf32, #tpu.memory_space<vmem>>, vector<1x1x16xf32>,
          %parallel_loop3A_258 = vector.shape_cast %parallel_loop3A_257 : vector<1x1x16xf32> to vector<16xf32>
          %parallel_loop3A_259 = vector.shape_cast %parallel_loop3A_252 : vector<16xf32> to vector<1x1x16xf32>
          tpu.vector_store %arg9[%parallel_loop3A_254, %parallel_loop3A_255, %parallel_loop3A_256], %parallel_loop3A_259 {strides = array<i32>} : memref<3x64x128xf32, #tpu.memory_space<vmem>>, vector<1x1x16xf32>,
          %parallel_loop3A_260 = arith.constant 0 : i32
          %parallel_loop3A_261 = arith.index_cast %parallel_loop3A_260 : i32 to index
          %parallel_loop3A_262 = arith.index_cast %parallel_loop3A_179 : i32 to index
          %parallel_loop3A_263 = arith.constant 64 : index
          %parallel_loop3A_264 = tpu.vector_load %arg9[%parallel_loop3A_261, %parallel_loop3A_262, %parallel_loop3A_263] {strides = array<i32>} : memref<3x64x128xf32, #tpu.memory_space<vmem>>, vector<1x1x16xf32>,
          %parallel_loop3A_265 = vector.shape_cast %parallel_loop3A_264 : vector<1x1x16xf32> to vector<16xf32>
          %parallel_loop3A_266 = arith.constant 0 : i32
          %parallel_loop3A_267 = arith.index_cast %parallel_loop3A_266 : i32 to index
          %parallel_loop3A_268 = arith.index_cast %parallel_loop3A_179 : i32 to index
          %parallel_loop3A_269 = arith.constant 64 : index
          %parallel_loop3A_270 = tpu.vector_load %arg10[%parallel_loop3A_267, %parallel_loop3A_268, %parallel_loop3A_269] {strides = array<i32>} : memref<3x64x128xf32, #tpu.memory_space<vmem>>, vector<1x1x16xf32>,
          %parallel_loop3A_271 = vector.shape_cast %parallel_loop3A_270 : vector<1x1x16xf32> to vector<16xf32>
          %parallel_loop3A_272 = arith.mulf %parallel_loop3A_265, %parallel_loop3A_271 : vector<16xf32>
          %parallel_loop3A_273 = arith.constant 0 : i32
          %parallel_loop3A_274 = arith.index_cast %parallel_loop3A_273 : i32 to index
          %parallel_loop3A_275 = arith.index_cast %parallel_loop3A_179 : i32 to index
          %parallel_loop3A_276 = arith.constant 64 : index
          %parallel_loop3A_277 = tpu.vector_load %arg9[%parallel_loop3A_274, %parallel_loop3A_275, %parallel_loop3A_276] {strides = array<i32>} : memref<3x64x128xf32, #tpu.memory_space<vmem>>, vector<1x1x16xf32>,
          %parallel_loop3A_278 = vector.shape_cast %parallel_loop3A_277 : vector<1x1x16xf32> to vector<16xf32>
          %parallel_loop3A_279 = vector.shape_cast %parallel_loop3A_272 : vector<16xf32> to vector<1x1x16xf32>
          tpu.vector_store %arg9[%parallel_loop3A_274, %parallel_loop3A_275, %parallel_loop3A_276], %parallel_loop3A_279 {strides = array<i32>} : memref<3x64x128xf32, #tpu.memory_space<vmem>>, vector<1x1x16xf32>,
          %parallel_loop3A_280 = arith.constant 0 : i32
          %parallel_loop3A_281 = arith.index_cast %parallel_loop3A_280 : i32 to index
          %parallel_loop3A_282 = arith.index_cast %parallel_loop3A_179 : i32 to index
          %parallel_loop3A_283 = arith.constant 80 : index
          %parallel_loop3A_284 = tpu.vector_load %arg9[%parallel_loop3A_281, %parallel_loop3A_282, %parallel_loop3A_283] {strides = array<i32>} : memref<3x64x128xf32, #tpu.memory_space<vmem>>, vector<1x1x16xf32>,
          %parallel_loop3A_285 = vector.shape_cast %parallel_loop3A_284 : vector<1x1x16xf32> to vector<16xf32>
          %parallel_loop3A_286 = arith.constant 0 : i32
          %parallel_loop3A_287 = arith.index_cast %parallel_loop3A_286 : i32 to index
          %parallel_loop3A_288 = arith.index_cast %parallel_loop3A_179 : i32 to index
          %parallel_loop3A_289 = arith.constant 80 : index
          %parallel_loop3A_290 = tpu.vector_load %arg10[%parallel_loop3A_287, %parallel_loop3A_288, %parallel_loop3A_289] {strides = array<i32>} : memref<3x64x128xf32, #tpu.memory_space<vmem>>, vector<1x1x16xf32>,
          %parallel_loop3A_291 = vector.shape_cast %parallel_loop3A_290 : vector<1x1x16xf32> to vector<16xf32>
          %parallel_loop3A_292 = arith.mulf %parallel_loop3A_285, %parallel_loop3A_291 : vector<16xf32>
          %parallel_loop3A_293 = arith.constant 0 : i32
          %parallel_loop3A_294 = arith.index_cast %parallel_loop3A_293 : i32 to index
          %parallel_loop3A_295 = arith.index_cast %parallel_loop3A_179 : i32 to index
          %parallel_loop3A_296 = arith.constant 80 : index
          %parallel_loop3A_297 = tpu.vector_load %arg9[%parallel_loop3A_294, %parallel_loop3A_295, %parallel_loop3A_296] {strides = array<i32>} : memref<3x64x128xf32, #tpu.memory_space<vmem>>, vector<1x1x16xf32>,
          %parallel_loop3A_298 = vector.shape_cast %parallel_loop3A_297 : vector<1x1x16xf32> to vector<16xf32>
          %parallel_loop3A_299 = vector.shape_cast %parallel_loop3A_292 : vector<16xf32> to vector<1x1x16xf32>
          tpu.vector_store %arg9[%parallel_loop3A_294, %parallel_loop3A_295, %parallel_loop3A_296], %parallel_loop3A_299 {strides = array<i32>} : memref<3x64x128xf32, #tpu.memory_space<vmem>>, vector<1x1x16xf32>,
          %parallel_loop3A_300 = arith.constant 0 : i32
          %parallel_loop3A_301 = arith.index_cast %parallel_loop3A_300 : i32 to index
          %parallel_loop3A_302 = arith.index_cast %parallel_loop3A_179 : i32 to index
          %parallel_loop3A_303 = arith.constant 96 : index
          %parallel_loop3A_304 = tpu.vector_load %arg9[%parallel_loop3A_301, %parallel_loop3A_302, %parallel_loop3A_303] {strides = array<i32>} : memref<3x64x128xf32, #tpu.memory_space<vmem>>, vector<1x1x16xf32>,
          %parallel_loop3A_305 = vector.shape_cast %parallel_loop3A_304 : vector<1x1x16xf32> to vector<16xf32>
          %parallel_loop3A_306 = arith.constant 0 : i32
          %parallel_loop3A_307 = arith.index_cast %parallel_loop3A_306 : i32 to index
          %parallel_loop3A_308 = arith.index_cast %parallel_loop3A_179 : i32 to index
          %parallel_loop3A_309 = arith.constant 96 : index
          %parallel_loop3A_310 = tpu.vector_load %arg10[%parallel_loop3A_307, %parallel_loop3A_308, %parallel_loop3A_309] {strides = array<i32>} : memref<3x64x128xf32, #tpu.memory_space<vmem>>, vector<1x1x16xf32>,
          %parallel_loop3A_311 = vector.shape_cast %parallel_loop3A_310 : vector<1x1x16xf32> to vector<16xf32>
          %parallel_loop3A_312 = arith.mulf %parallel_loop3A_305, %parallel_loop3A_311 : vector<16xf32>
          %parallel_loop3A_313 = arith.constant 0 : i32
          %parallel_loop3A_314 = arith.index_cast %parallel_loop3A_313 : i32 to index
          %parallel_loop3A_315 = arith.index_cast %parallel_loop3A_179 : i32 to index
          %parallel_loop3A_316 = arith.constant 96 : index
          %parallel_loop3A_317 = tpu.vector_load %arg9[%parallel_loop3A_314, %parallel_loop3A_315, %parallel_loop3A_316] {strides = array<i32>} : memref<3x64x128xf32, #tpu.memory_space<vmem>>, vector<1x1x16xf32>,
          %parallel_loop3A_318 = vector.shape_cast %parallel_loop3A_317 : vector<1x1x16xf32> to vector<16xf32>
          %parallel_loop3A_319 = vector.shape_cast %parallel_loop3A_312 : vector<16xf32> to vector<1x1x16xf32>
          tpu.vector_store %arg9[%parallel_loop3A_314, %parallel_loop3A_315, %parallel_loop3A_316], %parallel_loop3A_319 {strides = array<i32>} : memref<3x64x128xf32, #tpu.memory_space<vmem>>, vector<1x1x16xf32>,
          %parallel_loop3A_320 = arith.constant 0 : i32
          %parallel_loop3A_321 = arith.index_cast %parallel_loop3A_320 : i32 to index
          %parallel_loop3A_322 = arith.index_cast %parallel_loop3A_179 : i32 to index
          %parallel_loop3A_323 = arith.constant 112 : index
          %parallel_loop3A_324 = tpu.vector_load %arg9[%parallel_loop3A_321, %parallel_loop3A_322, %parallel_loop3A_323] {strides = array<i32>} : memref<3x64x128xf32, #tpu.memory_space<vmem>>, vector<1x1x16xf32>,
          %parallel_loop3A_325 = vector.shape_cast %parallel_loop3A_324 : vector<1x1x16xf32> to vector<16xf32>
          %parallel_loop3A_326 = arith.constant 0 : i32
          %parallel_loop3A_327 = arith.index_cast %parallel_loop3A_326 : i32 to index
          %parallel_loop3A_328 = arith.index_cast %parallel_loop3A_179 : i32 to index
          %parallel_loop3A_329 = arith.constant 112 : index
          %parallel_loop3A_330 = tpu.vector_load %arg10[%parallel_loop3A_327, %parallel_loop3A_328, %parallel_loop3A_329] {strides = array<i32>} : memref<3x64x128xf32, #tpu.memory_space<vmem>>, vector<1x1x16xf32>,
          %parallel_loop3A_331 = vector.shape_cast %parallel_loop3A_330 : vector<1x1x16xf32> to vector<16xf32>
          %parallel_loop3A_332 = arith.mulf %parallel_loop3A_325, %parallel_loop3A_331 : vector<16xf32>
          %parallel_loop3A_333 = arith.constant 0 : i32
          %parallel_loop3A_334 = arith.index_cast %parallel_loop3A_333 : i32 to index
          %parallel_loop3A_335 = arith.index_cast %parallel_loop3A_179 : i32 to index
          %parallel_loop3A_336 = arith.constant 112 : index
          %parallel_loop3A_337 = tpu.vector_load %arg9[%parallel_loop3A_334, %parallel_loop3A_335, %parallel_loop3A_336] {strides = array<i32>} : memref<3x64x128xf32, #tpu.memory_space<vmem>>, vector<1x1x16xf32>,
          %parallel_loop3A_338 = vector.shape_cast %parallel_loop3A_337 : vector<1x1x16xf32> to vector<16xf32>
          %parallel_loop3A_339 = vector.shape_cast %parallel_loop3A_332 : vector<16xf32> to vector<1x1x16xf32>
          tpu.vector_store %arg9[%parallel_loop3A_334, %parallel_loop3A_335, %parallel_loop3A_336], %parallel_loop3A_339 {strides = array<i32>} : memref<3x64x128xf32, #tpu.memory_space<vmem>>, vector<1x1x16xf32>,
        } {sc.loop_unroll_factor = 4 : i64, sc.parallel_access}
        %dma_start3A = arith.constant 0 : i32
        %dma_start3A_168 = arith.constant 0 : i32
        %dma_start3A_169 = arith.constant 0 : i32
        %dma_start3A_170 = arith.constant 0 : i32
        %dma_start3A_171 = tpu.memref_slice %arg9[%dma_start3A, %dma_start3A_169, %dma_start3A_170] : memref<3x64x128xf32, #tpu.memory_space<vmem>> -> memref<1x64x128xf32, #tpu.memory_space<vmem>>
        %dma_start3A_172 = tpu.memref_squeeze %dma_start3A_171 : memref<1x64x128xf32, #tpu.memory_space<vmem>> -> memref<64x128xf32, #tpu.memory_space<vmem>>
        %dma_start3A_173 = arith.constant 0 : i32
        %dma_start3A_174 = tpu.memref_slice %arg8[%dma_start3A_168, %dma_start3A_173] : memref<3x64xi32, #tpu.memory_space<vmem>> -> memref<1x64xi32, #tpu.memory_space<vmem>>
        %dma_start3A_175 = tpu.memref_squeeze %dma_start3A_174 : memref<1x64xi32, #tpu.memory_space<vmem>> -> memref<64xi32, #tpu.memory_space<vmem>>
        %dma_start3A_176 = arith.constant 0 : i32
        %dma_start3A_177 = arith.constant 0 : i32
        %dma_start3A_178 = tpu.memref_slice %arg11[%dma_start3A_176, %dma_start3A_177] : memref<10112x128xf32, #tpu.memory_space<vmem_shared>> -> memref<10112x128xf32, #tpu.memory_space<vmem_shared>>
        tpu.enqueue_indirect_dma source(%dma_start3A_172 : memref<64x128xf32, #tpu.memory_space<vmem>>) target(%dma_start3A_178 : memref<10112x128xf32, #tpu.memory_space<vmem_shared>>) offsets(%dma_start3A_175 : memref<64xi32, #tpu.memory_space<vmem>>) semaphore(%arg18 : memref<!tpu.dma_semaphore, #tpu.memory_space<semaphore_mem>>) {add = true}
      } else {
      }
      %add3A_97 = arith.constant 2 : i32
      %add3A_98 = arith.addi %mul3A_19, %add3A_97 : i32
      %mul3A_99 = arith.constant 32 : i32
      %mul3A_100 = arith.muli %add3A_98, %mul3A_99 : i32
      %add3A_101 = arith.addi %mul3A_100, %add3A : i32
      %ge3A_102 = arith.constant 2 : i32
      %ge3A_103 = arith.cmpi sge, %add3A_98, %ge3A_102 : i32
      %sub3A_104 = arith.constant 64 : i32
      %sub3A_105 = arith.subi %add3A_101, %sub3A_104 : i32
      %lt3A_106 = arith.constant 5000 : i32
      %lt3A_107 = arith.cmpi slt, %sub3A_105, %lt3A_106 : i32
      %and3A_108 = arith.andi %ge3A_103, %lt3A_107 : i1
      %convert_element_type3A_109 = arith.extui %and3A_108 : i1 to i32
      %cond3A_110 = arith.constant 0 : i32
      %cond3A_111 = arith.cmpi ne, %convert_element_type3A_109, %cond3A_110 : i32
      scf.if %cond3A_111 {
        %dma_wait3A = arith.constant 0 : i32
        %dma_wait3A_137 = arith.constant 0 : i32
        %dma_wait3A_138 = arith.constant 0 : i32
        %dma_wait3A_139 = tpu.memref_slice %arg9[%dma_wait3A, %dma_wait3A_137, %dma_wait3A_138] : memref<3x64x128xf32, #tpu.memory_space<vmem>> -> memref<1x64x128xf32, #tpu.memory_space<vmem>>
        %dma_wait3A_140 = tpu.memref_squeeze %dma_wait3A_139 : memref<1x64x128xf32, #tpu.memory_space<vmem>> -> memref<64x128xf32, #tpu.memory_space<vmem>>
        %dma_wait3A_141 = arith.constant 0 : i32
        %dma_wait3A_142 = arith.constant 0 : i32
        %dma_wait3A_143 = tpu.memref_slice %arg6[%arg0, %dma_wait3A_141, %dma_wait3A_142] : memref<2x10112x128xf32, #tpu.memory_space<hbm>> -> memref<1x64x128xf32, #tpu.memory_space<hbm>>
        %dma_wait3A_144 = tpu.memref_squeeze %dma_wait3A_143 : memref<1x64x128xf32, #tpu.memory_space<hbm>> -> memref<64x128xf32, #tpu.memory_space<hbm>>
        %dma_wait3A_145 = arith.constant 0 : i32
        %dma_wait3A_146 = arith.constant 0 : i32
        %dma_wait3A_147 = tpu.memref_slice %arg9[%dma_wait3A, %dma_wait3A_145, %dma_wait3A_146] : memref<3x64x128xf32, #tpu.memory_space<vmem>> -> memref<1x64x128xf32, #tpu.memory_space<vmem>>
        %dma_wait3A_148 = tpu.memref_squeeze %dma_wait3A_147 : memref<1x64x128xf32, #tpu.memory_space<vmem>> -> memref<64x128xf32, #tpu.memory_space<vmem>>
        %dma_wait3A_149 = arith.constant 0 : i32
        %dma_wait3A_150 = arith.constant 0 : i32
        %dma_wait3A_151 = tpu.memref_slice %arg6[%arg0, %dma_wait3A_149, %dma_wait3A_150] : memref<2x10112x128xf32, #tpu.memory_space<hbm>> -> memref<1x64x128xf32, #tpu.memory_space<hbm>>
        %dma_wait3A_152 = tpu.memref_squeeze %dma_wait3A_151 : memref<1x64x128xf32, #tpu.memory_space<hbm>> -> memref<64x128xf32, #tpu.memory_space<hbm>>
        tpu.wait_dma2 semaphore(%arg18 : memref<!tpu.dma_semaphore, #tpu.memory_space<semaphore_mem>>) src(%dma_wait3A_152 : memref<64x128xf32, #tpu.memory_space<hbm>>) dst(%dma_wait3A_148 : memref<64x128xf32, #tpu.memory_space<vmem>>)
      } else {
      }
      %add3A_112 = arith.constant 1 : i32
      %add3A_113 = arith.addi %add3A_98, %add3A_112 : i32
      %mul3A_114 = arith.constant 32 : i32
      %mul3A_115 = arith.muli %add3A_113, %mul3A_114 : i32
      %add3A_116 = arith.addi %mul3A_115, %add3A : i32
      %lt3A_117 = arith.constant 5000 : i32
      %lt3A_118 = arith.cmpi slt, %add3A_116, %lt3A_117 : i32
      %convert_element_type3A_119 = arith.extui %lt3A_118 : i1 to i32
      %cond3A_120 = arith.constant 0 : i32
      %cond3A_121 = arith.cmpi ne, %convert_element_type3A_119, %cond3A_120 : i32
      scf.if %cond3A_121 {
        %mul3A_137 = arith.constant 64 : i32
        %mul3A_138 = arith.muli %add3A_116, %mul3A_137 : i32
        %dma_start3A = arith.constant 0 : i32
        %dma_start3A_139 = arith.constant 0 : i32
        %dma_start3A_140 = tpu.memref_slice %arg7[%dma_start3A, %dma_start3A_139] : memref<3x64xi32, #tpu.memory_space<vmem>> -> memref<1x64xi32, #tpu.memory_space<vmem>>
        %dma_start3A_141 = tpu.memref_squeeze %dma_start3A_140 : memref<1x64xi32, #tpu.memory_space<vmem>> -> memref<64xi32, #tpu.memory_space<vmem>>
        %dma_start3A_142 = tpu.memref_slice %arg4[%mul3A_138] : memref<640000xi32, #tpu.memory_space<hbm>> -> memref<64xi32, #tpu.memory_space<hbm>>
        %dma_start3A_143 = arith.constant 0 : i32
        %dma_start3A_144 = tpu.memref_slice %arg7[%dma_start3A, %dma_start3A_143] : memref<3x64xi32, #tpu.memory_space<vmem>> -> memref<1x64xi32, #tpu.memory_space<vmem>>
        %dma_start3A_145 = tpu.memref_squeeze %dma_start3A_144 : memref<1x64xi32, #tpu.memory_space<vmem>> -> memref<64xi32, #tpu.memory_space<vmem>>
        %dma_start3A_146 = tpu.memref_slice %arg4[%mul3A_138] : memref<640000xi32, #tpu.memory_space<hbm>> -> memref<64xi32, #tpu.memory_space<hbm>>
        tpu.enqueue_dma source(%dma_start3A_146 : memref<64xi32, #tpu.memory_space<hbm>>) target(%dma_start3A_145 : memref<64xi32, #tpu.memory_space<vmem>>) target_semaphore(%arg12 : memref<!tpu.dma_semaphore, #tpu.memory_space<semaphore_mem>>)
        %add3A_147 = arith.constant 320000 : i32
        %add3A_148 = arith.addi %add3A_147, %mul3A_138 : i32
        %dma_start3A_149 = arith.constant 0 : i32
        %dma_start3A_150 = arith.constant 0 : i32
        %dma_start3A_151 = tpu.memref_slice %arg8[%dma_start3A_149, %dma_start3A_150] : memref<3x64xi32, #tpu.memory_space<vmem>> -> memref<1x64xi32, #tpu.memory_space<vmem>>
        %dma_start3A_152 = tpu.memref_squeeze %dma_start3A_151 : memref<1x64xi32, #tpu.memory_space<vmem>> -> memref<64xi32, #tpu.memory_space<vmem>>
        %dma_start3A_153 = tpu.memref_slice %arg4[%add3A_148] : memref<640000xi32, #tpu.memory_space<hbm>> -> memref<64xi32, #tpu.memory_space<hbm>>
        %dma_start3A_154 = arith.constant 0 : i32
        %dma_start3A_155 = tpu.memref_slice %arg8[%dma_start3A_149, %dma_start3A_154] : memref<3x64xi32, #tpu.memory_space<vmem>> -> memref<1x64xi32, #tpu.memory_space<vmem>>
        %dma_start3A_156 = tpu.memref_squeeze %dma_start3A_155 : memref<1x64xi32, #tpu.memory_space<vmem>> -> memref<64xi32, #tpu.memory_space<vmem>>
        %dma_start3A_157 = tpu.memref_slice %arg4[%add3A_148] : memref<640000xi32, #tpu.memory_space<hbm>> -> memref<64xi32, #tpu.memory_space<hbm>>
        tpu.enqueue_dma source(%dma_start3A_157 : memref<64xi32, #tpu.memory_space<hbm>>) target(%dma_start3A_156 : memref<64xi32, #tpu.memory_space<vmem>>) target_semaphore(%arg12 : memref<!tpu.dma_semaphore, #tpu.memory_space<semaphore_mem>>)
      } else {
      }
      %lt3A_122 = arith.constant 5000 : i32
      %lt3A_123 = arith.cmpi slt, %add3A_101, %lt3A_122 : i32
      %convert_element_type3A_124 = arith.extui %lt3A_123 : i1 to i32
      %cond3A_125 = arith.constant 0 : i32
      %cond3A_126 = arith.cmpi ne, %convert_element_type3A_124, %cond3A_125 : i32
      scf.if %cond3A_126 {
        %dma_wait3A = arith.constant 2 : i32
        %dma_wait3A_137 = arith.constant 0 : i32
        %dma_wait3A_138 = tpu.memref_slice %arg7[%dma_wait3A, %dma_wait3A_137] : memref<3x64xi32, #tpu.memory_space<vmem>> -> memref<1x64xi32, #tpu.memory_space<vmem>>
        %dma_wait3A_139 = tpu.memref_squeeze %dma_wait3A_138 : memref<1x64xi32, #tpu.memory_space<vmem>> -> memref<64xi32, #tpu.memory_space<vmem>>
        %dma_wait3A_140 = arith.constant 0 : i32
        %dma_wait3A_141 = tpu.memref_slice %arg4[%dma_wait3A_140] : memref<640000xi32, #tpu.memory_space<hbm>> -> memref<64xi32, #tpu.memory_space<hbm>>
        %dma_wait3A_142 = arith.constant 0 : i32
        %dma_wait3A_143 = tpu.memref_slice %arg7[%dma_wait3A, %dma_wait3A_142] : memref<3x64xi32, #tpu.memory_space<vmem>> -> memref<1x64xi32, #tpu.memory_space<vmem>>
        %dma_wait3A_144 = tpu.memref_squeeze %dma_wait3A_143 : memref<1x64xi32, #tpu.memory_space<vmem>> -> memref<64xi32, #tpu.memory_space<vmem>>
        %dma_wait3A_145 = arith.constant 0 : i32
        %dma_wait3A_146 = tpu.memref_slice %arg4[%dma_wait3A_145] : memref<640000xi32, #tpu.memory_space<hbm>> -> memref<64xi32, #tpu.memory_space<hbm>>
        tpu.wait_dma2 semaphore(%arg14 : memref<!tpu.dma_semaphore, #tpu.memory_space<semaphore_mem>>) src(%dma_wait3A_146 : memref<64xi32, #tpu.memory_space<hbm>>) dst(%dma_wait3A_144 : memref<64xi32, #tpu.memory_space<vmem>>)
        %dma_wait3A_147 = arith.constant 2 : i32
        %dma_wait3A_148 = arith.constant 0 : i32
        %dma_wait3A_149 = tpu.memref_slice %arg8[%dma_wait3A_147, %dma_wait3A_148] : memref<3x64xi32, #tpu.memory_space<vmem>> -> memref<1x64xi32, #tpu.memory_space<vmem>>
        %dma_wait3A_150 = tpu.memref_squeeze %dma_wait3A_149 : memref<1x64xi32, #tpu.memory_space<vmem>> -> memref<64xi32, #tpu.memory_space<vmem>>
        %dma_wait3A_151 = arith.constant 0 : i32
        %dma_wait3A_152 = tpu.memref_slice %arg4[%dma_wait3A_151] : memref<640000xi32, #tpu.memory_space<hbm>> -> memref<64xi32, #tpu.memory_space<hbm>>
        %dma_wait3A_153 = arith.constant 0 : i32
        %dma_wait3A_154 = tpu.memref_slice %arg8[%dma_wait3A_147, %dma_wait3A_153] : memref<3x64xi32, #tpu.memory_space<vmem>> -> memref<1x64xi32, #tpu.memory_space<vmem>>
        %dma_wait3A_155 = tpu.memref_squeeze %dma_wait3A_154 : memref<1x64xi32, #tpu.memory_space<vmem>> -> memref<64xi32, #tpu.memory_space<vmem>>
        %dma_wait3A_156 = arith.constant 0 : i32
        %dma_wait3A_157 = tpu.memref_slice %arg4[%dma_wait3A_156] : memref<640000xi32, #tpu.memory_space<hbm>> -> memref<64xi32, #tpu.memory_space<hbm>>
        tpu.wait_dma2 semaphore(%arg14 : memref<!tpu.dma_semaphore, #tpu.memory_space<semaphore_mem>>) src(%dma_wait3A_157 : memref<64xi32, #tpu.memory_space<hbm>>) dst(%dma_wait3A_155 : memref<64xi32, #tpu.memory_space<vmem>>)
        %dma_start3A = arith.constant 2 : i32
        %dma_start3A_158 = arith.constant 2 : i32
        %dma_start3A_159 = arith.constant 0 : i32
        %dma_start3A_160 = arith.constant 0 : i32
        %dma_start3A_161 = tpu.memref_slice %arg9[%dma_start3A_158, %dma_start3A_159, %dma_start3A_160] : memref<3x64x128xf32, #tpu.memory_space<vmem>> -> memref<1x64x128xf32, #tpu.memory_space<vmem>>
        %dma_start3A_162 = tpu.memref_squeeze %dma_start3A_161 : memref<1x64x128xf32, #tpu.memory_space<vmem>> -> memref<64x128xf32, #tpu.memory_space<vmem>>
        %dma_start3A_163 = arith.constant 0 : i32
        %dma_start3A_164 = tpu.memref_slice %arg7[%dma_start3A, %dma_start3A_163] : memref<3x64xi32, #tpu.memory_space<vmem>> -> memref<1x64xi32, #tpu.memory_space<vmem>>
        %dma_start3A_165 = tpu.memref_squeeze %dma_start3A_164 : memref<1x64xi32, #tpu.memory_space<vmem>> -> memref<64xi32, #tpu.memory_space<vmem>>
        %dma_start3A_166 = arith.constant 0 : i32
        %dma_start3A_167 = arith.constant 0 : i32
        %dma_start3A_168 = tpu.memref_slice %arg2[%dma_start3A_166, %dma_start3A_167] : memref<10000x128xf32, #tpu.memory_space<hbm>> -> memref<10000x128xf32, #tpu.memory_space<hbm>>
        tpu.enqueue_indirect_dma source(%dma_start3A_168 : memref<10000x128xf32, #tpu.memory_space<hbm>>) target(%dma_start3A_162 : memref<64x128xf32, #tpu.memory_space<vmem>>) offsets(%dma_start3A_165 : memref<64xi32, #tpu.memory_space<vmem>>) semaphore(%arg17 : memref<!tpu.dma_semaphore, #tpu.memory_space<semaphore_mem>>)
        %mul3A_169 = arith.constant 64 : i32
        %mul3A_170 = arith.muli %add3A_101, %mul3A_169 : i32
        %dma_start3A_171 = arith.constant 2 : i32
        %dma_start3A_172 = arith.constant 0 : i32
        %dma_start3A_173 = arith.constant 0 : i32
        %dma_start3A_174 = tpu.memref_slice %arg10[%dma_start3A_171, %dma_start3A_172, %dma_start3A_173] : memref<3x64x128xf32, #tpu.memory_space<vmem>> -> memref<1x64x128xf32, #tpu.memory_space<vmem>>
        %dma_start3A_175 = tpu.memref_squeeze %dma_start3A_174 : memref<1x64x128xf32, #tpu.memory_space<vmem>> -> memref<64x128xf32, #tpu.memory_space<vmem>>
        %dma_start3A_176 = arith.constant 0 : i32
        %dma_start3A_177 = tpu.memref_slice %arg3[%mul3A_170, %dma_start3A_176] : memref<320000x128xf32, #tpu.memory_space<hbm>> -> memref<64x128xf32, #tpu.memory_space<hbm>>
        %dma_start3A_178 = arith.constant 0 : i32
        %dma_start3A_179 = arith.constant 0 : i32
        %dma_start3A_180 = tpu.memref_slice %arg10[%dma_start3A_171, %dma_start3A_178, %dma_start3A_179] : memref<3x64x128xf32, #tpu.memory_space<vmem>> -> memref<1x64x128xf32, #tpu.memory_space<vmem>>
        %dma_start3A_181 = tpu.memref_squeeze %dma_start3A_180 : memref<1x64x128xf32, #tpu.memory_space<vmem>> -> memref<64x128xf32, #tpu.memory_space<vmem>>
        %dma_start3A_182 = arith.constant 0 : i32
        %dma_start3A_183 = tpu.memref_slice %arg3[%mul3A_170, %dma_start3A_182] : memref<320000x128xf32, #tpu.memory_space<hbm>> -> memref<64x128xf32, #tpu.memory_space<hbm>>
        tpu.enqueue_dma source(%dma_start3A_183 : memref<64x128xf32, #tpu.memory_space<hbm>>) target(%dma_start3A_181 : memref<64x128xf32, #tpu.memory_space<vmem>>) target_semaphore(%arg17 : memref<!tpu.dma_semaphore, #tpu.memory_space<semaphore_mem>>)
      } else {
      }
      %ge3A_127 = arith.constant 1 : i32
      %ge3A_128 = arith.cmpi sge, %add3A_98, %ge3A_127 : i32
      %sub3A_129 = arith.constant 32 : i32
      %sub3A_130 = arith.subi %add3A_101, %sub3A_129 : i32
      %lt3A_131 = arith.constant 5000 : i32
      %lt3A_132 = arith.cmpi slt, %sub3A_130, %lt3A_131 : i32
      %and3A_133 = arith.andi %ge3A_128, %lt3A_132 : i1
      %convert_element_type3A_134 = arith.extui %and3A_133 : i1 to i32
      %cond3A_135 = arith.constant 0 : i32
      %cond3A_136 = arith.cmpi ne, %convert_element_type3A_134, %cond3A_135 : i32
      scf.if %cond3A_136 {
        %dma_wait3A = arith.constant 1 : i32
        %dma_wait3A_137 = arith.constant 0 : i32
        %dma_wait3A_138 = arith.constant 0 : i32
        %dma_wait3A_139 = tpu.memref_slice %arg9[%dma_wait3A, %dma_wait3A_137, %dma_wait3A_138] : memref<3x64x128xf32, #tpu.memory_space<vmem>> -> memref<1x64x128xf32, #tpu.memory_space<vmem>>
        %dma_wait3A_140 = tpu.memref_squeeze %dma_wait3A_139 : memref<1x64x128xf32, #tpu.memory_space<vmem>> -> memref<64x128xf32, #tpu.memory_space<vmem>>
        %dma_wait3A_141 = arith.constant 0 : i32
        %dma_wait3A_142 = arith.constant 0 : i32
        %dma_wait3A_143 = tpu.memref_slice %arg3[%dma_wait3A_141, %dma_wait3A_142] : memref<320000x128xf32, #tpu.memory_space<hbm>> -> memref<64x128xf32, #tpu.memory_space<hbm>>
        %dma_wait3A_144 = arith.constant 0 : i32
        %dma_wait3A_145 = arith.constant 0 : i32
        %dma_wait3A_146 = tpu.memref_slice %arg9[%dma_wait3A, %dma_wait3A_144, %dma_wait3A_145] : memref<3x64x128xf32, #tpu.memory_space<vmem>> -> memref<1x64x128xf32, #tpu.memory_space<vmem>>
        %dma_wait3A_147 = tpu.memref_squeeze %dma_wait3A_146 : memref<1x64x128xf32, #tpu.memory_space<vmem>> -> memref<64x128xf32, #tpu.memory_space<vmem>>
        %dma_wait3A_148 = arith.constant 0 : i32
        %dma_wait3A_149 = arith.constant 0 : i32
        %dma_wait3A_150 = tpu.memref_slice %arg3[%dma_wait3A_148, %dma_wait3A_149] : memref<320000x128xf32, #tpu.memory_space<hbm>> -> memref<64x128xf32, #tpu.memory_space<hbm>>
        tpu.wait_dma2 semaphore(%arg16 : memref<!tpu.dma_semaphore, #tpu.memory_space<semaphore_mem>>) src(%dma_wait3A_150 : memref<64x128xf32, #tpu.memory_space<hbm>>) dst(%dma_wait3A_147 : memref<64x128xf32, #tpu.memory_space<vmem>>)
        %dma_wait3A_151 = arith.constant 1 : i32
        %dma_wait3A_152 = arith.constant 0 : i32
        %dma_wait3A_153 = arith.constant 0 : i32
        %dma_wait3A_154 = tpu.memref_slice %arg10[%dma_wait3A_151, %dma_wait3A_152, %dma_wait3A_153] : memref<3x64x128xf32, #tpu.memory_space<vmem>> -> memref<1x64x128xf32, #tpu.memory_space<vmem>>
        %dma_wait3A_155 = tpu.memref_squeeze %dma_wait3A_154 : memref<1x64x128xf32, #tpu.memory_space<vmem>> -> memref<64x128xf32, #tpu.memory_space<vmem>>
        %dma_wait3A_156 = arith.constant 0 : i32
        %dma_wait3A_157 = arith.constant 0 : i32
        %dma_wait3A_158 = tpu.memref_slice %arg3[%dma_wait3A_156, %dma_wait3A_157] : memref<320000x128xf32, #tpu.memory_space<hbm>> -> memref<64x128xf32, #tpu.memory_space<hbm>>
        %dma_wait3A_159 = arith.constant 0 : i32
        %dma_wait3A_160 = arith.constant 0 : i32
        %dma_wait3A_161 = tpu.memref_slice %arg10[%dma_wait3A_151, %dma_wait3A_159, %dma_wait3A_160] : memref<3x64x128xf32, #tpu.memory_space<vmem>> -> memref<1x64x128xf32, #tpu.memory_space<vmem>>
        %dma_wait3A_162 = tpu.memref_squeeze %dma_wait3A_161 : memref<1x64x128xf32, #tpu.memory_space<vmem>> -> memref<64x128xf32, #tpu.memory_space<vmem>>
        %dma_wait3A_163 = arith.constant 0 : i32
        %dma_wait3A_164 = arith.constant 0 : i32
        %dma_wait3A_165 = tpu.memref_slice %arg3[%dma_wait3A_163, %dma_wait3A_164] : memref<320000x128xf32, #tpu.memory_space<hbm>> -> memref<64x128xf32, #tpu.memory_space<hbm>>
        tpu.wait_dma2 semaphore(%arg16 : memref<!tpu.dma_semaphore, #tpu.memory_space<semaphore_mem>>) src(%dma_wait3A_165 : memref<64x128xf32, #tpu.memory_space<hbm>>) dst(%dma_wait3A_162 : memref<64x128xf32, #tpu.memory_space<vmem>>)
        %parallel_loop3A = arith.constant 0 : i32
        %parallel_loop3A_166 = arith.constant 64 : i32
        %parallel_loop3A_167 = arith.constant 1 : i32
        scf.for %parallel_loop3A_179 = %parallel_loop3A to %parallel_loop3A_166 step %parallel_loop3A_167  : i32 {
          %parallel_loop3A_180 = arith.constant 1 : i32
          %parallel_loop3A_181 = arith.index_cast %parallel_loop3A_180 : i32 to index
          %parallel_loop3A_182 = arith.index_cast %parallel_loop3A_179 : i32 to index
          %parallel_loop3A_183 = arith.constant 0 : index
          %parallel_loop3A_184 = tpu.vector_load %arg9[%parallel_loop3A_181, %parallel_loop3A_182, %parallel_loop3A_183] {strides = array<i32>} : memref<3x64x128xf32, #tpu.memory_space<vmem>>, vector<1x1x16xf32>,
          %parallel_loop3A_185 = vector.shape_cast %parallel_loop3A_184 : vector<1x1x16xf32> to vector<16xf32>
          %parallel_loop3A_186 = arith.constant 1 : i32
          %parallel_loop3A_187 = arith.index_cast %parallel_loop3A_186 : i32 to index
          %parallel_loop3A_188 = arith.index_cast %parallel_loop3A_179 : i32 to index
          %parallel_loop3A_189 = arith.constant 0 : index
          %parallel_loop3A_190 = tpu.vector_load %arg10[%parallel_loop3A_187, %parallel_loop3A_188, %parallel_loop3A_189] {strides = array<i32>} : memref<3x64x128xf32, #tpu.memory_space<vmem>>, vector<1x1x16xf32>,
          %parallel_loop3A_191 = vector.shape_cast %parallel_loop3A_190 : vector<1x1x16xf32> to vector<16xf32>
          %parallel_loop3A_192 = arith.mulf %parallel_loop3A_185, %parallel_loop3A_191 : vector<16xf32>
          %parallel_loop3A_193 = arith.constant 1 : i32
          %parallel_loop3A_194 = arith.index_cast %parallel_loop3A_193 : i32 to index
          %parallel_loop3A_195 = arith.index_cast %parallel_loop3A_179 : i32 to index
          %parallel_loop3A_196 = arith.constant 0 : index
          %parallel_loop3A_197 = tpu.vector_load %arg9[%parallel_loop3A_194, %parallel_loop3A_195, %parallel_loop3A_196] {strides = array<i32>} : memref<3x64x128xf32, #tpu.memory_space<vmem>>, vector<1x1x16xf32>,
          %parallel_loop3A_198 = vector.shape_cast %parallel_loop3A_197 : vector<1x1x16xf32> to vector<16xf32>
          %parallel_loop3A_199 = vector.shape_cast %parallel_loop3A_192 : vector<16xf32> to vector<1x1x16xf32>
          tpu.vector_store %arg9[%parallel_loop3A_194, %parallel_loop3A_195, %parallel_loop3A_196], %parallel_loop3A_199 {strides = array<i32>} : memref<3x64x128xf32, #tpu.memory_space<vmem>>, vector<1x1x16xf32>,
          %parallel_loop3A_200 = arith.constant 1 : i32
          %parallel_loop3A_201 = arith.index_cast %parallel_loop3A_200 : i32 to index
          %parallel_loop3A_202 = arith.index_cast %parallel_loop3A_179 : i32 to index
          %parallel_loop3A_203 = arith.constant 16 : index
          %parallel_loop3A_204 = tpu.vector_load %arg9[%parallel_loop3A_201, %parallel_loop3A_202, %parallel_loop3A_203] {strides = array<i32>} : memref<3x64x128xf32, #tpu.memory_space<vmem>>, vector<1x1x16xf32>,
          %parallel_loop3A_205 = vector.shape_cast %parallel_loop3A_204 : vector<1x1x16xf32> to vector<16xf32>
          %parallel_loop3A_206 = arith.constant 1 : i32
          %parallel_loop3A_207 = arith.index_cast %parallel_loop3A_206 : i32 to index
          %parallel_loop3A_208 = arith.index_cast %parallel_loop3A_179 : i32 to index
          %parallel_loop3A_209 = arith.constant 16 : index
          %parallel_loop3A_210 = tpu.vector_load %arg10[%parallel_loop3A_207, %parallel_loop3A_208, %parallel_loop3A_209] {strides = array<i32>} : memref<3x64x128xf32, #tpu.memory_space<vmem>>, vector<1x1x16xf32>,
          %parallel_loop3A_211 = vector.shape_cast %parallel_loop3A_210 : vector<1x1x16xf32> to vector<16xf32>
          %parallel_loop3A_212 = arith.mulf %parallel_loop3A_205, %parallel_loop3A_211 : vector<16xf32>
          %parallel_loop3A_213 = arith.constant 1 : i32
          %parallel_loop3A_214 = arith.index_cast %parallel_loop3A_213 : i32 to index
          %parallel_loop3A_215 = arith.index_cast %parallel_loop3A_179 : i32 to index
          %parallel_loop3A_216 = arith.constant 16 : index
          %parallel_loop3A_217 = tpu.vector_load %arg9[%parallel_loop3A_214, %parallel_loop3A_215, %parallel_loop3A_216] {strides = array<i32>} : memref<3x64x128xf32, #tpu.memory_space<vmem>>, vector<1x1x16xf32>,
          %parallel_loop3A_218 = vector.shape_cast %parallel_loop3A_217 : vector<1x1x16xf32> to vector<16xf32>
          %parallel_loop3A_219 = vector.shape_cast %parallel_loop3A_212 : vector<16xf32> to vector<1x1x16xf32>
          tpu.vector_store %arg9[%parallel_loop3A_214, %parallel_loop3A_215, %parallel_loop3A_216], %parallel_loop3A_219 {strides = array<i32>} : memref<3x64x128xf32, #tpu.memory_space<vmem>>, vector<1x1x16xf32>,
          %parallel_loop3A_220 = arith.constant 1 : i32
          %parallel_loop3A_221 = arith.index_cast %parallel_loop3A_220 : i32 to index
          %parallel_loop3A_222 = arith.index_cast %parallel_loop3A_179 : i32 to index
          %parallel_loop3A_223 = arith.constant 32 : index
          %parallel_loop3A_224 = tpu.vector_load %arg9[%parallel_loop3A_221, %parallel_loop3A_222, %parallel_loop3A_223] {strides = array<i32>} : memref<3x64x128xf32, #tpu.memory_space<vmem>>, vector<1x1x16xf32>,
          %parallel_loop3A_225 = vector.shape_cast %parallel_loop3A_224 : vector<1x1x16xf32> to vector<16xf32>
          %parallel_loop3A_226 = arith.constant 1 : i32
          %parallel_loop3A_227 = arith.index_cast %parallel_loop3A_226 : i32 to index
          %parallel_loop3A_228 = arith.index_cast %parallel_loop3A_179 : i32 to index
          %parallel_loop3A_229 = arith.constant 32 : index
          %parallel_loop3A_230 = tpu.vector_load %arg10[%parallel_loop3A_227, %parallel_loop3A_228, %parallel_loop3A_229] {strides = array<i32>} : memref<3x64x128xf32, #tpu.memory_space<vmem>>, vector<1x1x16xf32>,
          %parallel_loop3A_231 = vector.shape_cast %parallel_loop3A_230 : vector<1x1x16xf32> to vector<16xf32>
          %parallel_loop3A_232 = arith.mulf %parallel_loop3A_225, %parallel_loop3A_231 : vector<16xf32>
          %parallel_loop3A_233 = arith.constant 1 : i32
          %parallel_loop3A_234 = arith.index_cast %parallel_loop3A_233 : i32 to index
          %parallel_loop3A_235 = arith.index_cast %parallel_loop3A_179 : i32 to index
          %parallel_loop3A_236 = arith.constant 32 : index
          %parallel_loop3A_237 = tpu.vector_load %arg9[%parallel_loop3A_234, %parallel_loop3A_235, %parallel_loop3A_236] {strides = array<i32>} : memref<3x64x128xf32, #tpu.memory_space<vmem>>, vector<1x1x16xf32>,
          %parallel_loop3A_238 = vector.shape_cast %parallel_loop3A_237 : vector<1x1x16xf32> to vector<16xf32>
          %parallel_loop3A_239 = vector.shape_cast %parallel_loop3A_232 : vector<16xf32> to vector<1x1x16xf32>
          tpu.vector_store %arg9[%parallel_loop3A_234, %parallel_loop3A_235, %parallel_loop3A_236], %parallel_loop3A_239 {strides = array<i32>} : memref<3x64x128xf32, #tpu.memory_space<vmem>>, vector<1x1x16xf32>,
          %parallel_loop3A_240 = arith.constant 1 : i32
          %parallel_loop3A_241 = arith.index_cast %parallel_loop3A_240 : i32 to index
          %parallel_loop3A_242 = arith.index_cast %parallel_loop3A_179 : i32 to index
          %parallel_loop3A_243 = arith.constant 48 : index
          %parallel_loop3A_244 = tpu.vector_load %arg9[%parallel_loop3A_241, %parallel_loop3A_242, %parallel_loop3A_243] {strides = array<i32>} : memref<3x64x128xf32, #tpu.memory_space<vmem>>, vector<1x1x16xf32>,
          %parallel_loop3A_245 = vector.shape_cast %parallel_loop3A_244 : vector<1x1x16xf32> to vector<16xf32>
          %parallel_loop3A_246 = arith.constant 1 : i32
          %parallel_loop3A_247 = arith.index_cast %parallel_loop3A_246 : i32 to index
          %parallel_loop3A_248 = arith.index_cast %parallel_loop3A_179 : i32 to index
          %parallel_loop3A_249 = arith.constant 48 : index
          %parallel_loop3A_250 = tpu.vector_load %arg10[%parallel_loop3A_247, %parallel_loop3A_248, %parallel_loop3A_249] {strides = array<i32>} : memref<3x64x128xf32, #tpu.memory_space<vmem>>, vector<1x1x16xf32>,
          %parallel_loop3A_251 = vector.shape_cast %parallel_loop3A_250 : vector<1x1x16xf32> to vector<16xf32>
          %parallel_loop3A_252 = arith.mulf %parallel_loop3A_245, %parallel_loop3A_251 : vector<16xf32>
          %parallel_loop3A_253 = arith.constant 1 : i32
          %parallel_loop3A_254 = arith.index_cast %parallel_loop3A_253 : i32 to index
          %parallel_loop3A_255 = arith.index_cast %parallel_loop3A_179 : i32 to index
          %parallel_loop3A_256 = arith.constant 48 : index
          %parallel_loop3A_257 = tpu.vector_load %arg9[%parallel_loop3A_254, %parallel_loop3A_255, %parallel_loop3A_256] {strides = array<i32>} : memref<3x64x128xf32, #tpu.memory_space<vmem>>, vector<1x1x16xf32>,
          %parallel_loop3A_258 = vector.shape_cast %parallel_loop3A_257 : vector<1x1x16xf32> to vector<16xf32>
          %parallel_loop3A_259 = vector.shape_cast %parallel_loop3A_252 : vector<16xf32> to vector<1x1x16xf32>
          tpu.vector_store %arg9[%parallel_loop3A_254, %parallel_loop3A_255, %parallel_loop3A_256], %parallel_loop3A_259 {strides = array<i32>} : memref<3x64x128xf32, #tpu.memory_space<vmem>>, vector<1x1x16xf32>,
          %parallel_loop3A_260 = arith.constant 1 : i32
          %parallel_loop3A_261 = arith.index_cast %parallel_loop3A_260 : i32 to index
          %parallel_loop3A_262 = arith.index_cast %parallel_loop3A_179 : i32 to index
          %parallel_loop3A_263 = arith.constant 64 : index
          %parallel_loop3A_264 = tpu.vector_load %arg9[%parallel_loop3A_261, %parallel_loop3A_262, %parallel_loop3A_263] {strides = array<i32>} : memref<3x64x128xf32, #tpu.memory_space<vmem>>, vector<1x1x16xf32>,
          %parallel_loop3A_265 = vector.shape_cast %parallel_loop3A_264 : vector<1x1x16xf32> to vector<16xf32>
          %parallel_loop3A_266 = arith.constant 1 : i32
          %parallel_loop3A_267 = arith.index_cast %parallel_loop3A_266 : i32 to index
          %parallel_loop3A_268 = arith.index_cast %parallel_loop3A_179 : i32 to index
          %parallel_loop3A_269 = arith.constant 64 : index
          %parallel_loop3A_270 = tpu.vector_load %arg10[%parallel_loop3A_267, %parallel_loop3A_268, %parallel_loop3A_269] {strides = array<i32>} : memref<3x64x128xf32, #tpu.memory_space<vmem>>, vector<1x1x16xf32>,
          %parallel_loop3A_271 = vector.shape_cast %parallel_loop3A_270 : vector<1x1x16xf32> to vector<16xf32>
          %parallel_loop3A_272 = arith.mulf %parallel_loop3A_265, %parallel_loop3A_271 : vector<16xf32>
          %parallel_loop3A_273 = arith.constant 1 : i32
          %parallel_loop3A_274 = arith.index_cast %parallel_loop3A_273 : i32 to index
          %parallel_loop3A_275 = arith.index_cast %parallel_loop3A_179 : i32 to index
          %parallel_loop3A_276 = arith.constant 64 : index
          %parallel_loop3A_277 = tpu.vector_load %arg9[%parallel_loop3A_274, %parallel_loop3A_275, %parallel_loop3A_276] {strides = array<i32>} : memref<3x64x128xf32, #tpu.memory_space<vmem>>, vector<1x1x16xf32>,
          %parallel_loop3A_278 = vector.shape_cast %parallel_loop3A_277 : vector<1x1x16xf32> to vector<16xf32>
          %parallel_loop3A_279 = vector.shape_cast %parallel_loop3A_272 : vector<16xf32> to vector<1x1x16xf32>
          tpu.vector_store %arg9[%parallel_loop3A_274, %parallel_loop3A_275, %parallel_loop3A_276], %parallel_loop3A_279 {strides = array<i32>} : memref<3x64x128xf32, #tpu.memory_space<vmem>>, vector<1x1x16xf32>,
          %parallel_loop3A_280 = arith.constant 1 : i32
          %parallel_loop3A_281 = arith.index_cast %parallel_loop3A_280 : i32 to index
          %parallel_loop3A_282 = arith.index_cast %parallel_loop3A_179 : i32 to index
          %parallel_loop3A_283 = arith.constant 80 : index
          %parallel_loop3A_284 = tpu.vector_load %arg9[%parallel_loop3A_281, %parallel_loop3A_282, %parallel_loop3A_283] {strides = array<i32>} : memref<3x64x128xf32, #tpu.memory_space<vmem>>, vector<1x1x16xf32>,
          %parallel_loop3A_285 = vector.shape_cast %parallel_loop3A_284 : vector<1x1x16xf32> to vector<16xf32>
          %parallel_loop3A_286 = arith.constant 1 : i32
          %parallel_loop3A_287 = arith.index_cast %parallel_loop3A_286 : i32 to index
          %parallel_loop3A_288 = arith.index_cast %parallel_loop3A_179 : i32 to index
          %parallel_loop3A_289 = arith.constant 80 : index
          %parallel_loop3A_290 = tpu.vector_load %arg10[%parallel_loop3A_287, %parallel_loop3A_288, %parallel_loop3A_289] {strides = array<i32>} : memref<3x64x128xf32, #tpu.memory_space<vmem>>, vector<1x1x16xf32>,
          %parallel_loop3A_291 = vector.shape_cast %parallel_loop3A_290 : vector<1x1x16xf32> to vector<16xf32>
          %parallel_loop3A_292 = arith.mulf %parallel_loop3A_285, %parallel_loop3A_291 : vector<16xf32>
          %parallel_loop3A_293 = arith.constant 1 : i32
          %parallel_loop3A_294 = arith.index_cast %parallel_loop3A_293 : i32 to index
          %parallel_loop3A_295 = arith.index_cast %parallel_loop3A_179 : i32 to index
          %parallel_loop3A_296 = arith.constant 80 : index
          %parallel_loop3A_297 = tpu.vector_load %arg9[%parallel_loop3A_294, %parallel_loop3A_295, %parallel_loop3A_296] {strides = array<i32>} : memref<3x64x128xf32, #tpu.memory_space<vmem>>, vector<1x1x16xf32>,
          %parallel_loop3A_298 = vector.shape_cast %parallel_loop3A_297 : vector<1x1x16xf32> to vector<16xf32>
          %parallel_loop3A_299 = vector.shape_cast %parallel_loop3A_292 : vector<16xf32> to vector<1x1x16xf32>
          tpu.vector_store %arg9[%parallel_loop3A_294, %parallel_loop3A_295, %parallel_loop3A_296], %parallel_loop3A_299 {strides = array<i32>} : memref<3x64x128xf32, #tpu.memory_space<vmem>>, vector<1x1x16xf32>,
          %parallel_loop3A_300 = arith.constant 1 : i32
          %parallel_loop3A_301 = arith.index_cast %parallel_loop3A_300 : i32 to index
          %parallel_loop3A_302 = arith.index_cast %parallel_loop3A_179 : i32 to index
          %parallel_loop3A_303 = arith.constant 96 : index
          %parallel_loop3A_304 = tpu.vector_load %arg9[%parallel_loop3A_301, %parallel_loop3A_302, %parallel_loop3A_303] {strides = array<i32>} : memref<3x64x128xf32, #tpu.memory_space<vmem>>, vector<1x1x16xf32>,
          %parallel_loop3A_305 = vector.shape_cast %parallel_loop3A_304 : vector<1x1x16xf32> to vector<16xf32>
          %parallel_loop3A_306 = arith.constant 1 : i32
          %parallel_loop3A_307 = arith.index_cast %parallel_loop3A_306 : i32 to index
          %parallel_loop3A_308 = arith.index_cast %parallel_loop3A_179 : i32 to index
          %parallel_loop3A_309 = arith.constant 96 : index
          %parallel_loop3A_310 = tpu.vector_load %arg10[%parallel_loop3A_307, %parallel_loop3A_308, %parallel_loop3A_309] {strides = array<i32>} : memref<3x64x128xf32, #tpu.memory_space<vmem>>, vector<1x1x16xf32>,
          %parallel_loop3A_311 = vector.shape_cast %parallel_loop3A_310 : vector<1x1x16xf32> to vector<16xf32>
          %parallel_loop3A_312 = arith.mulf %parallel_loop3A_305, %parallel_loop3A_311 : vector<16xf32>
          %parallel_loop3A_313 = arith.constant 1 : i32
          %parallel_loop3A_314 = arith.index_cast %parallel_loop3A_313 : i32 to index
          %parallel_loop3A_315 = arith.index_cast %parallel_loop3A_179 : i32 to index
          %parallel_loop3A_316 = arith.constant 96 : index
          %parallel_loop3A_317 = tpu.vector_load %arg9[%parallel_loop3A_314, %parallel_loop3A_315, %parallel_loop3A_316] {strides = array<i32>} : memref<3x64x128xf32, #tpu.memory_space<vmem>>, vector<1x1x16xf32>,
          %parallel_loop3A_318 = vector.shape_cast %parallel_loop3A_317 : vector<1x1x16xf32> to vector<16xf32>
          %parallel_loop3A_319 = vector.shape_cast %parallel_loop3A_312 : vector<16xf32> to vector<1x1x16xf32>
          tpu.vector_store %arg9[%parallel_loop3A_314, %parallel_loop3A_315, %parallel_loop3A_316], %parallel_loop3A_319 {strides = array<i32>} : memref<3x64x128xf32, #tpu.memory_space<vmem>>, vector<1x1x16xf32>,
          %parallel_loop3A_320 = arith.constant 1 : i32
          %parallel_loop3A_321 = arith.index_cast %parallel_loop3A_320 : i32 to index
          %parallel_loop3A_322 = arith.index_cast %parallel_loop3A_179 : i32 to index
          %parallel_loop3A_323 = arith.constant 112 : index
          %parallel_loop3A_324 = tpu.vector_load %arg9[%parallel_loop3A_321, %parallel_loop3A_322, %parallel_loop3A_323] {strides = array<i32>} : memref<3x64x128xf32, #tpu.memory_space<vmem>>, vector<1x1x16xf32>,
          %parallel_loop3A_325 = vector.shape_cast %parallel_loop3A_324 : vector<1x1x16xf32> to vector<16xf32>
          %parallel_loop3A_326 = arith.constant 1 : i32
          %parallel_loop3A_327 = arith.index_cast %parallel_loop3A_326 : i32 to index
          %parallel_loop3A_328 = arith.index_cast %parallel_loop3A_179 : i32 to index
          %parallel_loop3A_329 = arith.constant 112 : index
          %parallel_loop3A_330 = tpu.vector_load %arg10[%parallel_loop3A_327, %parallel_loop3A_328, %parallel_loop3A_329] {strides = array<i32>} : memref<3x64x128xf32, #tpu.memory_space<vmem>>, vector<1x1x16xf32>,
          %parallel_loop3A_331 = vector.shape_cast %parallel_loop3A_330 : vector<1x1x16xf32> to vector<16xf32>
          %parallel_loop3A_332 = arith.mulf %parallel_loop3A_325, %parallel_loop3A_331 : vector<16xf32>
          %parallel_loop3A_333 = arith.constant 1 : i32
          %parallel_loop3A_334 = arith.index_cast %parallel_loop3A_333 : i32 to index
          %parallel_loop3A_335 = arith.index_cast %parallel_loop3A_179 : i32 to index
          %parallel_loop3A_336 = arith.constant 112 : index
          %parallel_loop3A_337 = tpu.vector_load %arg9[%parallel_loop3A_334, %parallel_loop3A_335, %parallel_loop3A_336] {strides = array<i32>} : memref<3x64x128xf32, #tpu.memory_space<vmem>>, vector<1x1x16xf32>,
          %parallel_loop3A_338 = vector.shape_cast %parallel_loop3A_337 : vector<1x1x16xf32> to vector<16xf32>
          %parallel_loop3A_339 = vector.shape_cast %parallel_loop3A_332 : vector<16xf32> to vector<1x1x16xf32>
          tpu.vector_store %arg9[%parallel_loop3A_334, %parallel_loop3A_335, %parallel_loop3A_336], %parallel_loop3A_339 {strides = array<i32>} : memref<3x64x128xf32, #tpu.memory_space<vmem>>, vector<1x1x16xf32>,
        } {sc.loop_unroll_factor = 4 : i64, sc.parallel_access}
        %dma_start3A = arith.constant 1 : i32
        %dma_start3A_168 = arith.constant 1 : i32
        %dma_start3A_169 = arith.constant 0 : i32
        %dma_start3A_170 = arith.constant 0 : i32
        %dma_start3A_171 = tpu.memref_slice %arg9[%dma_start3A, %dma_start3A_169, %dma_start3A_170] : memref<3x64x128xf32, #tpu.memory_space<vmem>> -> memref<1x64x128xf32, #tpu.memory_space<vmem>>
        %dma_start3A_172 = tpu.memref_squeeze %dma_start3A_171 : memref<1x64x128xf32, #tpu.memory_space<vmem>> -> memref<64x128xf32, #tpu.memory_space<vmem>>
        %dma_start3A_173 = arith.constant 0 : i32
        %dma_start3A_174 = tpu.memref_slice %arg8[%dma_start3A_168, %dma_start3A_173] : memref<3x64xi32, #tpu.memory_space<vmem>> -> memref<1x64xi32, #tpu.memory_space<vmem>>
        %dma_start3A_175 = tpu.memref_squeeze %dma_start3A_174 : memref<1x64xi32, #tpu.memory_space<vmem>> -> memref<64xi32, #tpu.memory_space<vmem>>
        %dma_start3A_176 = arith.constant 0 : i32
        %dma_start3A_177 = arith.constant 0 : i32
        %dma_start3A_178 = tpu.memref_slice %arg11[%dma_start3A_176, %dma_start3A_177] : memref<10112x128xf32, #tpu.memory_space<vmem_shared>> -> memref<10112x128xf32, #tpu.memory_space<vmem_shared>>
        tpu.enqueue_indirect_dma source(%dma_start3A_172 : memref<64x128xf32, #tpu.memory_space<vmem>>) target(%dma_start3A_178 : memref<10112x128xf32, #tpu.memory_space<vmem_shared>>) offsets(%dma_start3A_175 : memref<64xi32, #tpu.memory_space<vmem>>) semaphore(%arg19 : memref<!tpu.dma_semaphore, #tpu.memory_space<semaphore_mem>>) {add = true}
      } else {
      }
    }
    %scan3A_11 = arith.constant 53 : i32
    %barrier3A_12 = arith.constant 0 : index
    tpu.barrier barrier_id(%barrier3A_12)
    %mul3A_13 = arith.constant 632 : i32
    %mul3A_14 = arith.muli %arg1, %mul3A_13 : i32
    %mul3A_15 = arith.constant 632 : i32
    %mul3A_16 = arith.muli %arg1, %mul3A_15 : i32
    "tpu.region"() ({
      %run_scoped3A = tpu.sem_alloc : memref<!tpu.dma_semaphore, #tpu.memory_space<semaphore_mem>>
      %dma_start3A = arith.constant 0 : i32
      %dma_start3A_17 = tpu.memref_slice %arg6[%arg0, %mul3A_16, %dma_start3A] : memref<2x10112x128xf32, #tpu.memory_space<hbm>> -> memref<1x632x128xf32, #tpu.memory_space<hbm>>
      %dma_start3A_18 = tpu.memref_squeeze %dma_start3A_17 : memref<1x632x128xf32, #tpu.memory_space<hbm>> -> memref<632x128xf32, #tpu.memory_space<hbm>>
      %dma_start3A_19 = arith.constant 0 : i32
      %dma_start3A_20 = tpu.memref_slice %arg11[%mul3A_14, %dma_start3A_19] : memref<10112x128xf32, #tpu.memory_space<vmem_shared>> -> memref<632x128xf32, #tpu.memory_space<vmem_shared>>
      tpu.enqueue_dma source(%dma_start3A_20 : memref<632x128xf32, #tpu.memory_space<vmem_shared>>) target(%dma_start3A_18 : memref<632x128xf32, #tpu.memory_space<hbm>>) target_semaphore(%run_scoped3A : memref<!tpu.dma_semaphore, #tpu.memory_space<semaphore_mem>>)
      %dma_wait3A = arith.constant 0 : i32
      %dma_wait3A_21 = tpu.memref_slice %arg6[%arg0, %mul3A_16, %dma_wait3A] : memref<2x10112x128xf32, #tpu.memory_space<hbm>> -> memref<1x632x128xf32, #tpu.memory_space<hbm>>
      %dma_wait3A_22 = tpu.memref_squeeze %dma_wait3A_21 : memref<1x632x128xf32, #tpu.memory_space<hbm>> -> memref<632x128xf32, #tpu.memory_space<hbm>>
      %dma_wait3A_23 = arith.constant 0 : i32
      %dma_wait3A_24 = tpu.memref_slice %arg11[%mul3A_14, %dma_wait3A_23] : memref<10112x128xf32, #tpu.memory_space<vmem_shared>> -> memref<632x128xf32, #tpu.memory_space<vmem_shared>>
      tpu.wait_dma2 semaphore(%run_scoped3A : memref<!tpu.dma_semaphore, #tpu.memory_space<semaphore_mem>>) src(%dma_wait3A_24 : memref<632x128xf32, #tpu.memory_space<vmem_shared>>) dst(%dma_wait3A_22 : memref<632x128xf32, #tpu.memory_space<hbm>>)
      tpu.yield
    }) : () -> ()
    return
  }
}

module attributes {stable_mosaic.version = 14 : i64} {
  func.func @_dense_body(%arg0: i32, %arg1: memref<1000x128xf32, #tpu.memory_space<vmem>>, %arg2: memref<128x128xf32, #tpu.memory_space<vmem>>, %arg3: memref<1x128xf32, #tpu.memory_space<vmem>>, %arg4: memref<8x32000xf32, #tpu.memory_space<vmem>>, %arg5: memref<8x8xf32, #tpu.memory_space<vmem>>, %arg6: memref<128x8xf32, #tpu.memory_space<vmem>>, %arg7: memref<1000x128xf32, #tpu.memory_space<vmem>>, %arg8: memref<32000x128xf32, #tpu.memory_space<vmem>>) attributes {dimension_semantics = [#tpu.dimension_semantics<arbitrary>], iteration_bounds = array<i64: 10>, scalar_prefetch = 0 : i64, scratch_operands = 0 : i64, tpu.core_type = #tpu.core_type<tc>, window_params = [{transform_indices = @transform_0, window_bounds = array<i64: 1000, 128>}, {pipeline_mode = #tpu.pipeline_mode<synchronous>, transform_indices = @transform_1, window_bounds = array<i64: 128, 128>}, {pipeline_mode = #tpu.pipeline_mode<synchronous>, transform_indices = @transform_2, window_bounds = array<i64: 1, 128>}, {transform_indices = @transform_3, window_bounds = array<i64: 8, 32000>}, {pipeline_mode = #tpu.pipeline_mode<synchronous>, transform_indices = @transform_4, window_bounds = array<i64: 8, 8>}, {pipeline_mode = #tpu.pipeline_mode<synchronous>, transform_indices = @transform_5, window_bounds = array<i64: 128, 8>}, {transform_indices = @transform_6, window_bounds = array<i64: 1000, 128>}, {transform_indices = @transform_7, window_bounds = array<i64: 32000, 128>}]} {
    %get3A = arith.constant 0 : index
    %get3A_0 = arith.constant 0 : index
    %get3A_1 = vector.load %arg1[%get3A, %get3A_0] : memref<1000x128xf32, #tpu.memory_space<vmem>>, vector<1000x128xf32>
    %get3A_2 = arith.constant 0 : index
    %get3A_3 = arith.constant 0 : index
    %get3A_4 = vector.load %arg2[%get3A_2, %get3A_3] : memref<128x128xf32, #tpu.memory_space<vmem>>, vector<128x128xf32>
    %dot_general3A = arith.constant dense<0.000000e+00> : vector<1000x128xf32>
    %dot_general3A_5 = tpu.matmul %get3A_1, %get3A_4, %dot_general3A {dimension_numbers = #tpu.dot_dimension_numbers<[1], [1], [0], [0], [0, 0, 1, 0], [], []>, transpose_lhs_hint = false} : vector<1000x128xf32>, vector<128x128xf32>, vector<1000x128xf32> -> vector<1000x128xf32>
    %get3A_6 = arith.constant 0 : index
    %get3A_7 = arith.constant 0 : index
    %get3A_8 = vector.load %arg3[%get3A_6, %get3A_7] : memref<1x128xf32, #tpu.memory_space<vmem>>, vector<1x128xf32>
    %add3A = vector.broadcast %get3A_8 : vector<1x128xf32> to vector<1000x128xf32>
    %add3A_9 = arith.addf %dot_general3A_5, %add3A : vector<1000x128xf32>
    %swap3A = arith.constant 0 : index
    %swap3A_10 = arith.constant 0 : index
    %swap3A_11 = vector.load %arg7[%swap3A, %swap3A_10] : memref<1000x128xf32, #tpu.memory_space<vmem>>, vector<1000x128xf32>
    tpu.vector_store %arg7[%swap3A, %swap3A_10], %add3A_9 {strides = array<i32>} : memref<1000x128xf32, #tpu.memory_space<vmem>>, vector<1000x128xf32>,
    %get3A_12 = arith.constant 0 : index
    %get3A_13 = arith.constant 0 : index
    %get3A_14 = vector.load %arg5[%get3A_12, %get3A_13] : memref<8x8xf32, #tpu.memory_space<vmem>>, vector<8x8xf32>
    %get3A_15 = arith.constant 0 : index
    %get3A_16 = arith.constant 0 : index
    %get3A_17 = vector.load %arg4[%get3A_15, %get3A_16] : memref<8x32000xf32, #tpu.memory_space<vmem>>, vector<8x32000xf32>
    %dot_general3A_18 = arith.constant dense<0.000000e+00> : vector<8x32000xf32>
    %dot_general3A_19 = tpu.matmul %get3A_14, %get3A_17, %dot_general3A_18 {dimension_numbers = #tpu.dot_dimension_numbers<[1], [0], [0], [1], [0, 0, 1, 1], [], []>, transpose_lhs_hint = false} : vector<8x8xf32>, vector<8x32000xf32>, vector<8x32000xf32> -> vector<8x32000xf32>
    %logistic3A = arith.negf %dot_general3A_19 : vector<8x32000xf32>
    %logistic3A_20 = math.exp %logistic3A : vector<8x32000xf32>
    %logistic3A_21 = arith.constant 1.000000e+00 : f32
    %logistic3A_22 = vector.broadcast %logistic3A_21 : f32 to vector<8x32000xf32>
    %logistic3A_23 = arith.addf %logistic3A_22, %logistic3A_20 : vector<8x32000xf32>
    %logistic3A_24 = arith.divf %logistic3A_22, %logistic3A_23 : vector<8x32000xf32>
    %mul3A = arith.mulf %dot_general3A_19, %logistic3A_24 : vector<8x32000xf32>
    %get3A_25 = arith.constant 0 : index
    %get3A_26 = arith.constant 0 : index
    %get3A_27 = vector.load %arg6[%get3A_25, %get3A_26] : memref<128x8xf32, #tpu.memory_space<vmem>>, vector<128x8xf32>
    %dot_general3A_28 = arith.constant dense<0.000000e+00> : vector<32000x128xf32>
    %dot_general3A_29 = tpu.matmul %mul3A, %get3A_27, %dot_general3A_28 {dimension_numbers = #tpu.dot_dimension_numbers<[0], [1], [1], [0], [0, 1, 1, 0], [], []>, transpose_lhs_hint = false} : vector<8x32000xf32>, vector<128x8xf32>, vector<32000x128xf32> -> vector<32000x128xf32>
    %swap3A_30 = arith.constant 0 : index
    %swap3A_31 = arith.constant 0 : index
    %swap3A_32 = vector.load %arg8[%swap3A_30, %swap3A_31] : memref<32000x128xf32, #tpu.memory_space<vmem>>, vector<32000x128xf32>
    tpu.vector_store %arg8[%swap3A_30, %swap3A_31], %dot_general3A_29 {strides = array<i32>} : memref<32000x128xf32, #tpu.memory_space<vmem>>, vector<32000x128xf32>,
    return
  }
  func.func @transform_0(%arg0: i32) -> (i32, i32) {
    %c0_i32 = arith.constant 0 : i32
    %c0_i32_0 = arith.constant 0 : i32
    return %arg0, %c0_i32 : i32, i32
  }
  func.func @transform_1(%arg0: i32) -> (i32, i32) {
    %c0_i32 = arith.constant 0 : i32
    %c0_i32_0 = arith.constant 0 : i32
    %c0_i32_1 = arith.constant 0 : i32
    return %c0_i32, %c0_i32_0 : i32, i32
  }
  func.func @transform_2(%arg0: i32) -> (i32, i32) {
    %c0_i32 = arith.constant 0 : i32
    %c0_i32_0 = arith.constant 0 : i32
    %c0_i32_1 = arith.constant 0 : i32
    return %c0_i32, %c0_i32_0 : i32, i32
  }
  func.func @transform_3(%arg0: i32) -> (i32, i32) {
    %c0_i32 = arith.constant 0 : i32
    %c0_i32_0 = arith.constant 0 : i32
    return %c0_i32, %arg0 : i32, i32
  }
  func.func @transform_4(%arg0: i32) -> (i32, i32) {
    %c0_i32 = arith.constant 0 : i32
    %c0_i32_0 = arith.constant 0 : i32
    %c0_i32_1 = arith.constant 0 : i32
    return %c0_i32, %c0_i32_0 : i32, i32
  }
  func.func @transform_5(%arg0: i32) -> (i32, i32) {
    %c0_i32 = arith.constant 0 : i32
    %c0_i32_0 = arith.constant 0 : i32
    %c0_i32_1 = arith.constant 0 : i32
    return %c0_i32, %c0_i32_0 : i32, i32
  }
  func.func @transform_6(%arg0: i32) -> (i32, i32) {
    %c0_i32 = arith.constant 0 : i32
    %c0_i32_0 = arith.constant 0 : i32
    return %arg0, %c0_i32 : i32, i32
  }
  func.func @transform_7(%arg0: i32) -> (i32, i32) {
    %c0_i32 = arith.constant 0 : i32
    %c0_i32_0 = arith.constant 0 : i32
    return %arg0, %c0_i32 : i32, i32
  }
}

module attributes {stable_mosaic.version = 14 : i64} {
  func.func @_combine_body(%arg0: i32, %arg1: memref<1000x128xf32, #tpu.memory_space<vmem>>, %arg2: memref<1x1000x128xf32, #tpu.memory_space<vmem>>, %arg3: memref<1x1000x128xf32, #tpu.memory_space<vmem>>, %arg4: memref<1000x128xf32, #tpu.memory_space<vmem>>) attributes {dimension_semantics = [#tpu.dimension_semantics<arbitrary>], iteration_bounds = array<i64: 10>, scalar_prefetch = 0 : i64, scratch_operands = 0 : i64, tpu.core_type = #tpu.core_type<tc>, window_params = [{transform_indices = @transform_0, window_bounds = array<i64: 1000, 128>}, {transform_indices = @transform_1, window_bounds = array<i64: 1, 1000, 128>}, {transform_indices = @transform_2, window_bounds = array<i64: 1, 1000, 128>}, {transform_indices = @transform_3, window_bounds = array<i64: 1000, 128>}]} {
    %get3A = arith.constant 0 : index
    %get3A_0 = arith.constant 0 : index
    %get3A_1 = vector.load %arg1[%get3A, %get3A_0] : memref<1000x128xf32, #tpu.memory_space<vmem>>, vector<1000x128xf32>
    %get3A_2 = arith.constant 0 : index
    %get3A_3 = arith.constant 0 : index
    %get3A_4 = arith.constant 0 : index
    %get3A_5 = vector.load %arg2[%get3A_2, %get3A_3, %get3A_4] : memref<1x1000x128xf32, #tpu.memory_space<vmem>>, vector<1x1000x128xf32>
    %get3A_6 = vector.shape_cast %get3A_5 : vector<1x1000x128xf32> to vector<1000x128xf32>
    %add3A = arith.addf %get3A_1, %get3A_6 : vector<1000x128xf32>
    %get3A_7 = arith.constant 0 : index
    %get3A_8 = arith.constant 0 : index
    %get3A_9 = arith.constant 0 : index
    %get3A_10 = vector.load %arg3[%get3A_7, %get3A_8, %get3A_9] : memref<1x1000x128xf32, #tpu.memory_space<vmem>>, vector<1x1000x128xf32>
    %get3A_11 = vector.shape_cast %get3A_10 : vector<1x1000x128xf32> to vector<1000x128xf32>
    %add3A_12 = arith.addf %add3A, %get3A_11 : vector<1000x128xf32>
    %swap3A = arith.constant 0 : index
    %swap3A_13 = arith.constant 0 : index
    %swap3A_14 = vector.load %arg4[%swap3A, %swap3A_13] : memref<1000x128xf32, #tpu.memory_space<vmem>>, vector<1000x128xf32>
    tpu.vector_store %arg4[%swap3A, %swap3A_13], %add3A_12 {strides = array<i32>} : memref<1000x128xf32, #tpu.memory_space<vmem>>, vector<1000x128xf32>,
    return
  }
  func.func @transform_0(%arg0: i32) -> (i32, i32) {
    %c0_i32 = arith.constant 0 : i32
    %c0_i32_0 = arith.constant 0 : i32
    return %arg0, %c0_i32 : i32, i32
  }
  func.func @transform_1(%arg0: i32) -> (i32, i32, i32) {
    %c0_i32 = arith.constant 0 : i32
    %c0_i32_0 = arith.constant 0 : i32
    %c0_i32_1 = arith.constant 0 : i32
    return %c0_i32, %arg0, %c0_i32_0 : i32, i32, i32
  }
  func.func @transform_2(%arg0: i32) -> (i32, i32, i32) {
    %c1_i32 = arith.constant 1 : i32
    %c0_i32 = arith.constant 0 : i32
    %c0_i32_0 = arith.constant 0 : i32
    return %c1_i32, %arg0, %c0_i32 : i32, i32, i32
  }
  func.func @transform_3(%arg0: i32) -> (i32, i32) {
    %c0_i32 = arith.constant 0 : i32
    %c0_i32_0 = arith.constant 0 : i32
    return %arg0, %c0_i32 : i32, i32
  }
}

</mosaic_0001>

<sc_bundles>
// kernel: kernel.5.cloned.1.call-start
scs
__scs_entry_jumppad:
0x0: {  	(pc) =	sbr.rel $0x88, $3  }
0x1: {  	(tag) =	ssettag $0x0;
	lr =	simm.s32 $0x1  }
0x2: {  	[smem:$0x3F9A] =	sst lr;
	_ =	strace $0xD0000000  }
0x3: {  	_ = 	snop  }
0x4: {  	_ = 	snop  }
0x5: {  	_ = 	snop  }
0x6: {  	_ = 	snop  }
0x7: {  	_ = 	snop  }
__scs_overlays_trampoline_lowered:
0x8: {  	[smem:$0x3FA9] =	sst s0  }
0x9: {  	[smem:$0x3FAA] =	sst s1  }
0xa: {  	[smem:$0x3FAB] =	sst s2  }
0xb: {  	[smem:$0x3FAC] =	sst s3  }
0xc: {  	[smem:$0x3FAD] =	sst s4  }
0xd: {  	[smem:$0x3FAE] =	sst s5  }
0xe: {  	[smem:$0x3FAF] =	sst s6  }
0xf: {  	[smem:$0x3FB0] =	sst s7  }
0x10: {  	[smem:$0x3FB1] =	sst s8  }
0x11: {  	[smem:$0x3FB2] =	sst s9;
	s0 =	simm.s32 @!p0 $0x0  }
0x12: {  	s1 =	sld [smem:$0x3F98];
	s0 =	simm.s32 @p0 $0x1  }
0x13: {  	[smem:$0x3FB3] =	sst s0;
	s0 =	simm.s32 @!p1 $0x0  }
0x14: {  	s2 =	sld [smem:$0x3F97];
	s0 =	simm.s32 @p1 $0x1  }
0x15: {  	[smem:$0x3FB4] =	sst s0;
	s0 =	simm.s32 @!p2 $0x0  }
0x16: {  	s3 =	sld [smem:$0x3FDB];
	s0 =	simm.s32 @p2 $0x1  }
0x17: {  	s4 =	simm.s32 $0x1BF5;
	[smem:$0x3FB6] =	sst s0  }
0x18: {  	s0 =	sld [smem:$0x3F99];
	_ =	swait.ge [sflag:s4], $0x0  }
0x19: {  	s7 =	sld [smem:$0x3F9A]  }
0x1a: {  	s8 =	sadd.s32 $0xFFFFE003, lr  }
0x1b: {  	s9 =	sadd.s32 $0xFFFFFEF7, lr;
	s5 =	simm.s32 $0xFFFFFFFF;
	p2 =	slt.u32 s8, $0xFFFFF086  }
0x1c: {  	p1 =	slt.u32 s9, $0xF7A;
	s5 =	simm.s32 @!p2 $0x0  }
0x1d: {  	s5 =	simm.s32 @p1 $0x1;
	p0 =	seq.s32 s7, s2  }
0x1e: {  	s7 =	smul.u32 @!p0 $0xF7A, s2;
	p2 =	seq.s32 @!p0 s5, $0x0  }
0x1f: {  	s9 =	smul.u32 $0xF7A, s1;
	s8 =	simm.s32 @!p0 $0x1BF5;
	p2 =	por !p2, p0  }
0x20: {  	[sflag:s8] =	ssyncset.s32 @!p0 $0xFFFFF086;
	s6 =	sadd.s32 @!p0 s3, s7;
	s7 =	simm.s32 @!p0 $0x108  }
0x21: {  	s3 =	sadd.s32 s3, s9;
	s6 =	sadd.s32 @!p0 $0x88, s6;
	s7 =	simm.s32 @p2 $0x1082  }
0x22: {  	[simem:s7], [sflag:s8] =	dma.local @!p0 [hbm:s6], $0xF7A  }
0x23: {  	s9 =	sor.u32 $0xD0000000, s2;
	s6 =	simm.s32 $0x108;
	_ =	swait.ge @!p0 [sflag:s8], $0x0  }
0x24: {  	s3 =	sadd.s32 $0x88, s3;
	s6 =	simm.s32 @!p1 $0x1082;
	[sflag:s4] =	ssyncset.s32 $0xFFFFF086  }
0x25: {  	[simem:s6], [sflag:s4] =	dma.local [hbm:s3], $0xF7A  }
0x26: {  	[smem:$0x3F9A] =	sst s1;
	(tag) =	ssettag s2;
	_ =	strace s9  }
0x27: {  	s1 =	sld [smem:$0x3FAA]  }
0x28: {  	s2 =	sld [smem:$0x3FAB]  }
0x29: {  	s4 =	sld [smem:$0x3FAD]  }
0x2a: {  	p0 =	seq.s32 s5, $0x0;
	s5 =	sld [smem:$0x3FAE]  }
0x2b: {  	s6 =	sld [smem:$0x3FAF]  }
0x2c: {  	s7 =	sld [smem:$0x3FB0]  }
0x2d: {  	s3 =	simm.s32 $0x108;
	s8 =	sld [smem:$0x3FB1]  }
0x2e: {  	s3 =	simm.s32 @!p0 $0x1082;
	s9 =	sld [smem:$0x3FB2]  }
0x2f: {  	lr =	sadd.s32 s0, s3;
	s0 =	sld [smem:$0x3FA9]  }
0x30: {  	s3 =	sld [smem:$0x3FAC]  }
0x31: {  	[smem:$0x3FB5] =	sst s10  }
0x32: {  	s10 =	sld [smem:$0x3FB3];
	_ =	sdelay $0x3  }
0x33: {  	p0 =	seq.s32 s10, $0x1;
	s10 =	sld [smem:$0x3FB5];
	_ =	sdelay $0x3  }
0x34: {  	[smem:$0x3FB5] =	sst s10  }
0x35: {  	s10 =	sld [smem:$0x3FB4];
	_ =	sdelay $0x3  }
0x36: {  	p1 =	seq.s32 s10, $0x1;
	s10 =	sld [smem:$0x3FB5];
	_ =	sdelay $0x3  }
0x37: {  	[smem:$0x3FB5] =	sst s10  }
0x38: {  	s10 =	sld [smem:$0x3FB6]  }
0x39: {  	_ = 	snop;
	(pc) =	sbr.ind lr, $3  }
0x3a: {  	_ = 	snop  }
0x3b: {  	_ = 	snop  }
0x3c: {  	p2 =	seq.s32 s10, $0x1;
	s10 =	sld [smem:$0x3FB5]  }
0x3d: {  	_ =	shalt  }
0x3e: {  	_ =	shalt  }
0x3f: {  	_ =	shalt  }
0x40: {  	_ =	shalt  }
0x41: {  	_ =	shalt  }
0x42: {  	_ =	shalt  }
0x43: {  	_ =	shalt  }
0x44: {  	_ =	shalt  }
0x45: {  	_ =	shalt  }
0x46: {  	_ =	shalt  }
0x47: {  	_ =	shalt  }
0x48: {  	_ =	shalt  }
0x49: {  	_ =	shalt  }
0x4a: {  	_ =	shalt  }
0x4b: {  	_ =	shalt  }
0x4c: {  	_ =	shalt  }
0x4d: {  	_ =	shalt  }
0x4e: {  	_ =	shalt  }
0x4f: {  	_ =	shalt  }
0x50: {  	_ =	shalt  }
0x51: {  	_ =	shalt  }
0x52: {  	_ =	shalt  }
0x53: {  	_ =	shalt  }
0x54: {  	_ =	shalt  }
0x55: {  	_ =	shalt  }
0x56: {  	_ =	shalt  }
0x57: {  	_ =	shalt  }
0x58: {  	_ =	shalt  }
0x59: {  	_ =	shalt  }
0x5a: {  	_ =	shalt  }
0x5b: {  	_ =	shalt  }
0x5c: {  	_ =	shalt  }
0x5d: {  	_ =	shalt  }
0x5e: {  	_ =	shalt  }
0x5f: {  	_ =	shalt  }
0x60: {  	_ =	shalt  }
0x61: {  	_ =	shalt  }
0x62: {  	_ =	shalt  }
0x63: {  	_ =	shalt  }
0x64: {  	_ =	shalt  }
0x65: {  	_ =	shalt  }
0x66: {  	_ =	shalt  }
0x67: {  	_ =	shalt  }
0x68: {  	_ =	shalt  }
0x69: {  	_ =	shalt  }
0x6a: {  	_ =	shalt  }
0x6b: {  	_ =	shalt  }
0x6c: {  	_ =	shalt  }
0x6d: {  	_ =	shalt  }
0x6e: {  	_ =	shalt  }
0x6f: {  	_ =	shalt  }
0x70: {  	_ =	shalt  }
0x71: {  	_ =	shalt  }
0x72: {  	_ =	shalt  }
0x73: {  	_ =	shalt  }
0x74: {  	_ =	shalt  }
0x75: {  	_ =	shalt  }
0x76: {  	_ =	shalt  }
0x77: {  	_ =	shalt  }
0x78: {  	_ =	shalt  }
0x79: {  	_ =	shalt  }
0x7a: {  	_ =	shalt  }
0x7b: {  	_ =	shalt  }
0x7c: {  	_ =	shalt  }
0x7d: {  	_ =	shalt  }
0x7e: {  	_ =	shalt  }
0x7f: {  	_ =	shalt  }
0x80: {  	_ =	shalt  }
0x81: {  	_ =	shalt  }
0x82: {  	_ =	shalt  }
0x83: {  	_ =	shalt  }
0x84: {  	_ =	shalt  }
0x85: {  	_ =	shalt  }
0x86: {  	_ =	shalt  }
0x87: {  	_ =	shalt  }
.Lfunc_end0:
.L_simem_size_0:
called_computation_lowered:
.L_overlay_start_0:
0x88: {  	s2 =	sld [smem:$0x3FD9]  }
0x89: {  	s3 =	sld [smem:$0x3FFE];
	_ =	sdelay $0x1  }
0x8a: {  	s1 =	srdreg.scid  }
0x8b: {  	s0 =	sand.u32 $0x1, s1  }
0x8c: {  	s17 =	sshll.u32 s0, $0xA;
	s2 =	sadd.s32 s3, s2  }
0x8d: {  	s2 =	sadd.s32 s2, s17  }
0x8e: {  	[smem:$0x3FC1] =	sst s2  }
0x8f: {  	_ = 	snop  }
0x90: {  	s2 =	sld [smem:$0x3FD0];
	(tm) =	ssettm $0x1  }
0x91: {  	s18 =	sld [smem:$0x3FFB];
	_ =	sdelay $0x3  }
0x92: {  	_ =	strace s18  }
0x93: {  	s3 =	sld [smem:$0x3FFC];
	_ =	sdelay $0x3  }
0x94: {  	_ =	strace s3  }
0x95: {  	s3 =	sld [smem:$0x3FFD];
	_ =	sdelay $0x3  }
0x96: {  	_ =	strace s3  }
0x97: {  	_ =	strace $0x8FFFFFFF  }
0x98: {  	s19 =	sld [smem:$0x3FDB];
	_ =	sdelay $0x1  }
0x99: {  	s4 =	simm.s32 $_scs_section_size  }
0x9a: {  	s5 =	simm.s32 $_size__tile_overlayer_lowered;
	s6 =	simm.s32 $_tile_overlayer_lowered  }
0x9b: {  	s22 =	simm.s32 $0x1BFF;
	s21 =	sshll.u32 s6, $0x1;
	s3 =	sadd.s32 s4, s19  }
0x9c: {  	s7 =	simm.s32 $0x0;
	s20 =	sshll.u32 s5, $0x1;
	s5 =	sadd.s32 s21, s3  }
0x9d: {  	[timem:s7], [sflag:s22] =	dma.local [hbm:s5], s20  }
0x9e: {  	_ =	swait.ge [sflag:s22], s20  }
0x9f: {  	s4 =	ssub.s32 $0x0, s20;
	[sflag:s22] =	ssyncset.done $0x0  }
0xa0: {  	[sflag:s22] =	ssyncadd.s32 s4;
	_ =	sdelay $0x1  }
0xa1: {  	s23 =	simm.s32 $0x1B8B  }
0xa2: {  	_ =	swait.ge [sflag:s23], $0x1  }
0xa3: {  	[sflag:s23] =	ssyncset.done $0x0  }
0xa4: {  	s25 =	simm.s32 $0x1B8E;
	s24 =	sld [smem:$0x3FFE];
	[sflag:s23] =	ssyncadd.s32 $0xFFFFFFFF  }
0xa5: {  	s26 =	simm.s32 $execute0_lowered;
	[smem:$0x3FD2] =	sst s25  }
0xa6: {  	s5 =	sshll.u32 s26, $0x1;
	_ =	strace $0x80000046;
	[dreg:$0x1] =	wrdreg $0xFFFFFFFF  }
0xa7: {  	s28 =	simm.s32 $_size_execute0_lowered;
	s3 =	sadd.s32 s3, s5;
	[dreg:$0x0] =	wrdreg $0x0  }
0xa8: {  	s5 =	sshll.u32 s28, $0x1;
	[dreg:$0x2] =	wrdreg s3  }
0xa9: {  	[dreg:$0x3] =	wrdreg s5  }
0xaa: {  	[dreg:$0x4] =	wrdreg $0xC0  }
0xab: {  	_ =	task [dreg:s7], $0x5FFFF  }
0xac: {  	[dreg:$0x1] =	wrdreg $0xFFFFFFFF  }
0xad: {  	[dreg:$0x0] =	wrdreg $0x60  }
0xae: {  	[dreg:$0x2] =	wrdreg s2  }
0xaf: {  	[dreg:$0x3] =	wrdreg s24  }
0xb0: {  	[dreg:$0x4] =	wrdreg $0xC4000  }
0xb1: {  	[dreg:$0x5] =	wrdreg $0x9  }
0xb2: {  	_ =	task.clear_ibuf [dreg:s7], $0x6FFFF;
	_ =	strace $0x90000046  }
0xb3: {  	s29 =	simm.s32 $0x9;
	_ =	strace $0x80000048  }
0xb4: {  	_ =	swait.ge [sflag:s29], $0x1  }
0xb5: {  	[sflag:s29] =	ssyncadd.s32 $0xFFFFFFFF  }
0xb6: {  	_ =	strace $0x90000048  }
0xb7: {  	_ =	sfence  }
0xb8: {  	s30 =	sld [smem:$0x0];
	_ =	sdelay $0x2  }
0xb9: {  	s31 =	sshll.u32 s1, $0xD;
	s1 =	sshrl.u32 s1, $0x2  }
0xba: {  	s3 =	sand.u32 $0x4000, s31;
	s1 =	sadd.s32 s1, s30  }
0xbb: {  	s0 =	sor.u32 s3, s0;
	s1 =	sshll.u32 s1, $0x11  }
0xbc: {  	s0 =	sor.u32 s1, s0  }
0xbd: {  	s0 =	sadd.s32 $0x8F2B, s0  }
0xbe: {  	[sflag:s0] =	ssyncadd.remote.s32 $0x1  }
0xbf: {  	_ =	sfence.sel $0xFFFF  }
0xc0: {  	[dreg:$0x0] =	wrdreg $0xFFFFFFFF;
	(pc) =	sbr.abs _section_cstart, $3  }
0xc1: {  	[dreg:$0x1] =	wrdreg $0xFFFFFFFF  }
0xc2: {  	_ =	task.clear_ibuf [dreg:s7], $0x2FFFF;
	_ =	strace $0x9FFFFFFF  }
0xc3: {  	(tm) =	ssettm $0x7FFFFFFF  }
tec
execute0_lowered:
.L_overlay_start_1:
0x0: {  	(tag) =	ssettag $0x1  }
0x1: {  	s1 =	rddreg [dreg:$0x0]  }
0x2: {  	s0 =	rddreg [dreg:$0x1]  }
0x3: {  	s2 =	rddreg [dreg:$0x2]  }
0x4: {  	s3 =	srdreg.scid;
	s4 =	simm.s32 $0x0;
	s12 =	stileid.u32  }
0x5: {  	s28 =	simm.s32 $0x400;
	s29 =	simm.s32 $0x3;
	s31 =	simm.s32 $0x4400  }
0x6: {  	s16 =	simm.s32 $0x9;
	s3 =	sand.u32 $0x1, s3;
	[smem:$0x7FF] =	sst s4  }
0x7: {  	s8 =	smul.u32 $0x13C00, s12;
	s5 =	sadd.s32 $0x15400, s0;
	s6 =	sadd.s32 $0x1A00, s0  }
0x8: {  	s9 =	smul.u32 $0x4F000, s12;
	s10 =	sadd.s32 $0x4F7400, s0;
	s20 =	sshll.u32 s12, $0x1  }
0x9: {  	s22 =	sshll.u32 s12, $0x6;
	s12 =	simm.s32 $0x300;
	s7 =	smul.u32 $0x13C000, s3  }
0xa: {  	_ =	strace $0x80000047;
	s18 =	ssub.s32 $0x2, s3;
	[dreg:$0x4] =	wrdreg s10  }
0xb: {  	s17 =	sor.u32 $0x1C0A, s22;
	s10 =	sadd.s32 $0xB640, s0;
	s22 =	simm.s32 $0x40  }
0xc: {  	s19 =	sshrl.u32 s18, $0x1;
	s9 =	sshrl.u32 s9, $0x2;
	[dreg:$0x5] =	wrdreg s17  }
0xd: {  	s7 =	sadd.s32 s8, s7;
	s11 =	ssub.s32 s18, s19;
	s8 =	sor.u32 s3, s20  }
0xe: {  	s21 =	sadd.s32 s9, s2;
	s18 =	simm.s32 $0xA;
	s20 =	simm.s32 $0x200  }
0xf: {  	s3 =	simm.s32 $0x5;
	s19 =	simm.s32 $0x0;
	s7 =	sshrl.u32 s7, $0x3  }
0x10: {  	s23 =	sshll.u32 s8, $0x3;
	s13 =	sor.u32 $0x20, s8;
	s14 =	sor.u32 $0x40, s8  }
0x11: {  	s15 =	sor.u32 $0x60, s8;
	s30 =	smax.u32 s11, $0x1;
	s9 =	sshrl.u32 s21, $0x3  }
.Ltmp0:
0x12: {  	s21 =	simm.s32 $0x2;
	[dreg:$0x9] =	wrdreg s30;
	(pc) =	sbr.rel .LBB2_1-.Ltmp0, $4  }
0x13: {  	s11 =	simm.s32 $0x6;
	s24 =	sadd.s32 s6, s23;
	[dreg:$0xa] =	wrdreg s9  }
0x14: {  	s7 =	sadd.s32 s7, s0;
	s25 =	sadd.s32 s23, s10;
	[dreg:$0x6] =	wrdreg s24  }
0x15: {  	[dreg:$0x7] =	wrdreg s25;
	s26 =	sadd.s32 $0x4F9C00, s7;
	s24 =	simm.s32 $0x2400  }
0x16: {  	s7 =	simm.s32 $0x280;
	[dreg:$0x8] =	wrdreg s26;
	s26 =	simm.s32 $0x4  }
.LBB2_19:
0x17: {  	[bflag:$0x0] =	sbarrier.arrive $0xFFFF  }
0x18: {  	s17 =	rddreg [dreg:$0x5]  }
0x19: {  	s0 =	rddreg [dreg:$0x8]  }
0x1a: {  	s18 =	simm.s32 $0xA;
	s9 =	rddreg [dreg:$0xa]  }
0x1b: {  	[hbm:s0], [sflag:s17] =	dma.local [spmem:s9], $0x2780  }
0x1c: {  	_ =	swait.ge [sflag:s18], $0x2780  }
0x1d: {  	s19 =	rddreg [dreg:$0xb]  }
0x1e: {  	s30 =	rddreg [dreg:$0x9];
	s19 =	sadd.s32 $0x1, s19  }
0x1f: {  	p0 =	sne.s32 s19, s30  }
.Ltmp1:
0x20: {  	_ = 	snop;
	(pc) =	sbr.rel @!p0 .LBB2_20-.Ltmp1, $3  }
0x21: {  	_ =	sdelay $0x1  }
0x22: {  	[sflag:s18] =	ssyncset.done $0x0  }
0x23: {  	[sflag:s18] =	ssyncadd.s32 $0xFFFFD880  }
.LBB2_1:
0x24: {  	[dreg:$0xb] =	wrdreg s19  }
0x25: {  	s0 =	rddreg [dreg:$0x4]  }
0x26: {  	[spmem:s9], [sflag:s17] =	dma.local [hbm:s0], $0x2780  }
0x27: {  	_ =	swait.ge [sflag:s18], $0x2780  }
0x28: {  	[sflag:s18] =	ssyncset.done $0x0  }
0x29: {  	[sflag:s18] =	ssyncadd.s32 $0xFFFFD880  }
.Ltmp2:
0x2a: {  	[bflag:$0x0] =	sbarrier.arrive $0xFFFF;
	(pc) =	sbr.rel .LBB2_2-.Ltmp2, $4  }
0x2b: {  	s25 =	rddreg [dreg:$0x6]  }
0x2c: {  	[tilespmem:s4], [sflag:$0x1] =	stream.linear.gather [hbm4b:s25+s4], $0x40, $0x38;
	v63 =	vld [tilespmem:$0x0]  }
0x2d: {  	s9 =	simm.s32 $0x0;
	s30 =	rddreg [dreg:$0x7]  }
0x2e: {  	[tilespmem:s20], [sflag:$0x1] =	stream.linear.gather [hbm4b:s30+s4], $0x40, $0x38;
	v63 =	vld [tilespmem:$0x0]  }
.LBB2_18:
0x2f: {  	s9 =	sadd.s32 $0x1, s9  }
0x30: {  	p0 =	sne.s32 s9, $0x35  }
.Ltmp3:
0x31: {  	_ = 	snop;
	(pc) =	sbr.rel @!p0 .LBB2_19-.Ltmp3, $1  }
0x32: {  	_ =	sdelay $0x3  }
.LBB2_2:
0x33: {  	s18 =	smul.u32 $0x60, s9;
	p1 =	seq.s32 s9, $0x0  }
0x34: {  	s17 =	simm.s32 @!p1 $0x8  }
0x35: {  	_ =	swait.ge @!p1 [sflag:s17], $0x2000;
	s19 =	sadd.s32 s13, s18  }
0x36: {  	[sflag:s17] =	ssyncset.done @!p1 $0x0;
	p0 =	sgt.u32 s19, $0x1387  }
0x37: {  	[sflag:s17] =	ssyncadd.s32 @!p1 $0xFFFFE000;
	s17 =	sshll.u32 @!p0 s19, $0x3  }
0x38: {  	s25 =	simm.s32 @!p0 $0x0;
	s30 =	simm.s32 @!p0 $0x80;
	s23 =	sadd.s32 @!p0 s6, s17  }
0x39: {  	[tilespmem:s30], [sflag:$0x2] =	stream.linear.gather @!p0 [hbm4b:s23+s25], $0x40, $0x38;
	v63 =	vld [tilespmem:$0x0]  }
0x3a: {  	s23 =	sor.u32 s8, s18  }
0x3b: {  	s17 =	sadd.s32 @!p0 s17, s10;
	s30 =	simm.s32 @!p0 $0x280;
	p2 =	sgt.u32 s23, $0x1387  }
0x3c: {  	[tilespmem:s30], [sflag:$0x2] =	stream.linear.gather @!p0 [hbm4b:s17+s25], $0x40, $0x38;
	v63 =	vld [tilespmem:$0x0]  }
0x3d: {  	s17 =	simm.s32 @!p2 $0x1  }
0x3e: {  	_ =	swait.ge @!p2 [sflag:s17], $0x40  }
0x3f: {  	[sflag:s17] =	ssyncset.done @!p2 $0x0  }
0x40: {  	[sflag:s17] =	ssyncadd.s32 @!p2 $0xFFFFFFC0  }
0x41: {  	_ =	swait.ge @!p2 [sflag:s17], $0x40  }
0x42: {  	s25 =	simm.s32 @!p2 $0x0;
	s30 =	simm.s32 @!p2 $0x400;
	[sflag:s17] =	ssyncset.done @!p2 $0x0  }
.Ltmp4:
0x43: {  	[sflag:s17] =	ssyncadd.s32 @!p2 $0xFFFFFFC0;
	s17 =	simm.s32 @!p2 $0x40;
	(pc) =	sbr.rel @p1 .LBB2_6-.Ltmp4, $4  }
0x44: {  	[tilespmem:s30], [sflag:$0x4] =	stream.indirect.gather @!p2 [hbm4b:s1+s17], $0x80, s25, s17, $0xb8;
	v63 =	vld [tilespmem:$0x0]  }
0x45: {  	s17 =	sshll.u32 @!p2 s23, $0xA  }
0x46: {  	s23 =	simm.s32 @!p2 $0x6400;
	s17 =	sadd.s32 @!p2 s5, s17  }
0x47: {  	[tilespmem:s23], [sflag:$0x4] =	stream.linear.gather @!p2 [hbm4b:s17+s25], $0x2000, $0x38;
	v63 =	vld [tilespmem:$0x0]  }
0x48: {  	_ =	swait.ge [sflag:s11], $0x2000  }
0x49: {  	[sflag:s11] =	ssyncset.done $0x0  }
0x4a: {  	[sflag:s11] =	ssyncadd.s32 $0xFFFFE000  }
0x4b: {  	_ =	swait.ge [sflag:s11], $0x2000  }
0x4c: {  	[sflag:s11] =	ssyncset.done $0x0  }
0x4d: {  	s17 =	simm.s32 $0x0;
	[sflag:s11] =	ssyncadd.s32 $0xFFFFE000  }
0x4e: {  	v0 =	vld [tilespmem:s17+$0x4400]  }
0x4f: {  	v1 =	vld [tilespmem:s17+$0xA400]  }
0x50: {  	v2 =	vld [tilespmem:s17+$0x4410]  }
0x51: {  	v3 =	vld [tilespmem:s17+$0xA410]  }
0x52: {  	v4 =	vld [tilespmem:s17+$0x4420]  }
0x53: {  	v5 =	vld [tilespmem:s17+$0xA420]  }
0x54: {  	v6 =	vld [tilespmem:s17+$0xA430]  }
0x55: {  	v7 =	vld [tilespmem:s17+$0x45F0]  }
0x56: {  	v8 =	vld [tilespmem:s17+$0xA5F0]  }
0x57: {  	v9 =	vld [tilespmem:s17+$0xA460]  }
0x58: {  	v10 =	vld [tilespmem:s17+$0x4480]  }
0x59: {  	v11 =	vld [tilespmem:s17+$0xA480]  }
0x5a: {  	v12 =	vld [tilespmem:s17+$0x4490]  }
0x5b: {  	v13 =	vld [tilespmem:s17+$0xA490]  }
0x5c: {  	v14 =	vld [tilespmem:s17+$0x44A0]  }
0x5d: {  	v44 =	vld [tilespmem:s17+$0x44B0]  }
0x5e: {  	v15 =	vld [tilespmem:s17+$0x4470]  }
0x5f: {  	v46 =	vld [tilespmem:s17+$0x44C0]  }
0x60: {  	v47 =	vld [tilespmem:s17+$0xA4C0]  }
0x61: {  	v16 =	vld [tilespmem:s17+$0xA470]  }
0x62: {  	v48 =	vld [tilespmem:s17+$0x44D0]  }
0x63: {  	v17 =	vld [tilespmem:s17+$0xA4D0]  }
0x64: {  	v18 =	vld [tilespmem:s17+$0x4500]  }
0x65: {  	v19 =	vld [tilespmem:s17+$0xA500]  }
0x66: {  	v20 =	vld [tilespmem:s17+$0x4510]  }
0x67: {  	v21 =	vld [tilespmem:s17+$0xA510]  }
0x68: {  	v22 =	vld [tilespmem:s17+$0x4520]  }
0x69: {  	v49 =	vld [tilespmem:s17+$0xA520]  }
0x6a: {  	v50 =	vld [tilespmem:s17+$0x4530]  }
0x6b: {  	v23 =	vld [tilespmem:s17+$0x44E0]  }
0x6c: {  	v52 =	vld [tilespmem:s17+$0x4540]  }
0x6d: {  	v0 =	vmul.f32 v1, v0;
	v1 =	vld [tilespmem:s17+$0x4430]  }
0x6e: {  	v53 =	vld [tilespmem:s17+$0xA540]  }
0x6f: {  	v54 =	vld [tilespmem:s17+$0xA4E0]  }
0x70: {  	v55 =	vld [tilespmem:s17+$0x4550];
	v10 =	vmul.f32 v11, v10  }
0x71: {  	v45 =	vmul.f32 v13, v12;
	[tilespmem:s17+$0x4400] =	vst v0;
	v0 =	vmul.f32 v3, v2;
	v2 =	vld [tilespmem:s17+$0x4440]  }
0x72: {  	[tilespmem:s17+$0x4480] =	vst v10;
	v1 =	vmul.f32 v6, v1;
	v6 =	vld [tilespmem:s17+$0xA4A0]  }
0x73: {  	v18 =	vmul.f32 v19, v18;
	v3 =	vld [tilespmem:s17+$0xA440];
	[tilespmem:s17+$0x4490] =	vst v45  }
0x74: {  	v51 =	vmul.f32 v21, v20;
	[tilespmem:s17+$0x4410] =	vst v0;
	v0 =	vmul.f32 v5, v4;
	v4 =	vld [tilespmem:s17+$0x4450]  }
0x75: {  	[tilespmem:s17+$0x4500] =	vst v18;
	v5 =	vld [tilespmem:s17+$0xA450]  }
0x76: {  	v56 =	vld [tilespmem:s17+$0x44F0];
	v7 =	vmul.f32 v8, v7;
	[tilespmem:s17+$0x4510] =	vst v51  }
0x77: {  	[tilespmem:s17+$0x4420] =	vst v0;
	v0 =	vld [tilespmem:s17+$0x4460];
	v6 =	vmul.f32 v6, v14  }
0x78: {  	v57 =	vld [tilespmem:s17+$0x4560];
	[tilespmem:s17+$0x45F0] =	vst v7  }
0x79: {  	v2 =	vmul.f32 v3, v2;
	[tilespmem:s17+$0x44A0] =	vst v6;
	v6 =	vld [tilespmem:s17+$0xA530]  }
0x7a: {  	[tilespmem:s17+$0x4430] =	vst v1;
	v1 =	vld [tilespmem:s17+$0xA4B0];
	v4 =	vmul.f32 v5, v4  }
0x7b: {  	v58 =	vld [tilespmem:s17+$0xA560];
	[tilespmem:s17+$0x4440] =	vst v2;
	v14 =	vmul.f32 v49, v22  }
0x7c: {  	v5 =	vld [tilespmem:s17+$0x4580];
	v0 =	vmul.f32 v9, v0;
	[tilespmem:s17+$0x4450] =	vst v4  }
0x7d: {  	v2 =	vld [tilespmem:s17+$0xA580];
	v4 =	vmul.f32 v16, v15;
	[tilespmem:s17+$0x4520] =	vst v14  }
0x7e: {  	v59 =	vld [tilespmem:s17+$0xA590];
	[tilespmem:s17+$0x4460] =	vst v0;
	v6 =	vmul.f32 v6, v50  }
0x7f: {  	v7 =	vld [tilespmem:s17+$0x4590];
	v1 =	vmul.f32 v1, v44;
	[tilespmem:s17+$0x4470] =	vst v4  }
0x80: {  	v0 =	vmul.f32 v47, v46;
	[tilespmem:s17+$0x4530] =	vst v6;
	v6 =	vld [tilespmem:s17+$0xA4F0]  }
0x81: {  	v60 =	vld [tilespmem:s17+$0x45A0];
	v4 =	vmul.f32 v17, v48;
	[tilespmem:s17+$0x44B0] =	vst v1  }
0x82: {  	v62 =	vld [tilespmem:s17+$0xA570];
	v2 =	vmul.f32 v2, v5;
	[tilespmem:s17+$0x44C0] =	vst v0  }
0x83: {  	v1 =	vld [tilespmem:s17+$0xA550];
	v0 =	vmul.f32 v54, v23;
	[tilespmem:s17+$0x44D0] =	vst v4  }
0x84: {  	v3 =	vld [tilespmem:s17+$0x4570];
	[tilespmem:s17+$0x4580] =	vst v2;
	v2 =	vmul.f32 v59, v7  }
0x85: {  	v61 =	vld [tilespmem:s17+$0xA5A0];
	[tilespmem:s17+$0x44E0] =	vst v0;
	v0 =	vmul.f32 v6, v56  }
0x86: {  	v5 =	vld [tilespmem:s17+$0xA5B0];
	[tilespmem:s17+$0x4590] =	vst v2;
	v6 =	vmul.f32 v53, v52  }
0x87: {  	v4 =	vld [tilespmem:s17+$0x45B0];
	v7 =	vmul.f32 v58, v57;
	[tilespmem:s17+$0x44F0] =	vst v0  }
0x88: {  	v0 =	vld [tilespmem:s17+$0x45C0];
	[tilespmem:s17+$0x4540] =	vst v6;
	v6 =	vmul.f32 v1, v55  }
0x89: {  	[tilespmem:s17+$0x4560] =	vst v7;
	v7 =	vmul.f32 v62, v3;
	v1 =	vld [tilespmem:s17+$0xA5C0]  }
0x8a: {  	v2 =	vld [tilespmem:s17+$0x45D0];
	[tilespmem:s17+$0x4550] =	vst v6;
	v6 =	vmul.f32 v61, v60  }
0x8b: {  	v3 =	vld [tilespmem:s17+$0xA5D0];
	[tilespmem:s17+$0x4570] =	vst v7  }
0x8c: {  	s23 =	simm.s32 $0x0;
	s25 =	simm.s32 $0x800;
	v5 =	vmul.f32 v5, v4;
	v4 =	vld [tilespmem:s17+$0x45E0];
	[tilespmem:s17+$0x45A0] =	vst v6  }
.LBB2_4:
0x8d: {  	s30 =	sshra.s32 s25, $0x2;
	v6 =	vld [tilespmem:s17+$0xA5E0]  }
0x8e: {  	s23 =	sadd.s32 $0x4, s23;
	v7 =	vld [tilespmem:s30+$0x45F0];
	[tilespmem:s17+$0x45B0] =	vst v5;
	v0 =	vmul.f32 v1, v0  }
0x8f: {  	p1 =	slt.u32 s23, $0x3C;
	v1 =	vld [tilespmem:s30+$0xA5F0]  }
0x90: {  	v5 =	vld [tilespmem:s30+$0x4400];
	[tilespmem:s17+$0x45C0] =	vst v0;
	v0 =	vmul.f32 v3, v2  }
0x91: {  	v2 =	vld [tilespmem:s30+$0xA400]  }
0x92: {  	v3 =	vld [tilespmem:s30+$0x4410];
	[tilespmem:s17+$0x45D0] =	vst v0;
	v0 =	vmul.f32 v6, v4  }
0x93: {  	v4 =	vld [tilespmem:s30+$0xA410]  }
0x94: {  	v6 =	vld [tilespmem:s30+$0x4420];
	v1 =	vmul.f32 v1, v7;
	[tilespmem:s17+$0x45E0] =	vst v0;
	s17 =	smov.u32 s30  }
0x95: {  	v0 =	vld [tilespmem:s17+$0xA420]  }
0x96: {  	v2 =	vmul.f32 v2, v5;
	v5 =	vld [tilespmem:s17+$0x4430];
	[tilespmem:s17+$0x45F0] =	vst v1  }
0x97: {  	v1 =	vld [tilespmem:s17+$0xA430]  }
0x98: {  	[tilespmem:s17+$0x4400] =	vst v2;
	v2 =	vmul.f32 v4, v3;
	v3 =	vld [tilespmem:s17+$0x4440]  }
0x99: {  	v4 =	vld [tilespmem:s17+$0xA440]  }
0x9a: {  	[tilespmem:s17+$0x4410] =	vst v2;
	v0 =	vmul.f32 v0, v6;
	v2 =	vld [tilespmem:s17+$0x4450]  }
0x9b: {  	v6 =	vld [tilespmem:s17+$0xA450]  }
0x9c: {  	[tilespmem:s17+$0x4420] =	vst v0;
	v0 =	vmul.f32 v1, v5;
	v1 =	vld [tilespmem:s17+$0x4460]  }
0x9d: {  	v5 =	vld [tilespmem:s17+$0xA460]  }
0x9e: {  	[tilespmem:s17+$0x4430] =	vst v0;
	v0 =	vmul.f32 v4, v3;
	v3 =	vld [tilespmem:s17+$0x4470]  }
0x9f: {  	v4 =	vld [tilespmem:s17+$0xA470]  }
0xa0: {  	[tilespmem:s17+$0x4440] =	vst v0;
	v0 =	vmul.f32 v6, v2;
	v2 =	vld [tilespmem:s17+$0x4480]  }
0xa1: {  	v6 =	vld [tilespmem:s17+$0xA480]  }
0xa2: {  	[tilespmem:s17+$0x4450] =	vst v0;
	v0 =	vmul.f32 v5, v1;
	v1 =	vld [tilespmem:s17+$0x4490]  }
0xa3: {  	v5 =	vld [tilespmem:s17+$0xA490]  }
0xa4: {  	[tilespmem:s17+$0x4460] =	vst v0;
	v0 =	vmul.f32 v4, v3;
	v3 =	vld [tilespmem:s17+$0x44A0]  }
0xa5: {  	v4 =	vld [tilespmem:s17+$0xA4A0]  }
0xa6: {  	[tilespmem:s17+$0x4470] =	vst v0;
	v0 =	vmul.f32 v6, v2;
	v2 =	vld [tilespmem:s17+$0x44B0]  }
0xa7: {  	v6 =	vld [tilespmem:s17+$0xA4B0]  }
0xa8: {  	[tilespmem:s17+$0x4480] =	vst v0;
	v0 =	vmul.f32 v5, v1;
	v1 =	vld [tilespmem:s17+$0x44C0]  }
0xa9: {  	v5 =	vld [tilespmem:s17+$0xA4C0]  }
0xaa: {  	[tilespmem:s17+$0x4490] =	vst v0;
	v0 =	vmul.f32 v4, v3;
	v3 =	vld [tilespmem:s17+$0x44D0]  }
0xab: {  	v4 =	vld [tilespmem:s17+$0xA4D0]  }
0xac: {  	[tilespmem:s17+$0x44A0] =	vst v0;
	v0 =	vmul.f32 v6, v2;
	v2 =	vld [tilespmem:s17+$0x44E0]  }
0xad: {  	v6 =	vld [tilespmem:s17+$0xA4E0]  }
0xae: {  	[tilespmem:s17+$0x44B0] =	vst v0;
	v0 =	vmul.f32 v5, v1;
	v1 =	vld [tilespmem:s17+$0x44F0]  }
0xaf: {  	v5 =	vld [tilespmem:s17+$0xA4F0]  }
0xb0: {  	[tilespmem:s17+$0x44C0] =	vst v0;
	v0 =	vmul.f32 v4, v3;
	v3 =	vld [tilespmem:s17+$0x4500]  }
0xb1: {  	v4 =	vld [tilespmem:s17+$0xA500]  }
0xb2: {  	[tilespmem:s17+$0x44D0] =	vst v0;
	v0 =	vmul.f32 v6, v2;
	v2 =	vld [tilespmem:s17+$0x4510]  }
0xb3: {  	v6 =	vld [tilespmem:s17+$0xA510]  }
0xb4: {  	[tilespmem:s17+$0x44E0] =	vst v0;
	v0 =	vmul.f32 v5, v1;
	v1 =	vld [tilespmem:s17+$0x4520]  }
0xb5: {  	v5 =	vld [tilespmem:s17+$0xA520]  }
0xb6: {  	[tilespmem:s17+$0x44F0] =	vst v0;
	v0 =	vmul.f32 v4, v3;
	v3 =	vld [tilespmem:s17+$0x4530]  }
0xb7: {  	v4 =	vld [tilespmem:s17+$0xA530]  }
0xb8: {  	[tilespmem:s17+$0x4500] =	vst v0;
	v0 =	vmul.f32 v6, v2;
	v2 =	vld [tilespmem:s17+$0x4540]  }
0xb9: {  	v6 =	vld [tilespmem:s17+$0xA540]  }
0xba: {  	[tilespmem:s17+$0x4510] =	vst v0;
	v0 =	vmul.f32 v5, v1;
	v1 =	vld [tilespmem:s17+$0x4550]  }
0xbb: {  	v5 =	vld [tilespmem:s17+$0xA550]  }
0xbc: {  	[tilespmem:s17+$0x4520] =	vst v0;
	v0 =	vmul.f32 v4, v3;
	v3 =	vld [tilespmem:s17+$0x4560]  }
0xbd: {  	v4 =	vld [tilespmem:s17+$0xA560]  }
0xbe: {  	[tilespmem:s17+$0x4530] =	vst v0;
	v0 =	vmul.f32 v6, v2;
	v2 =	vld [tilespmem:s17+$0x4570]  }
0xbf: {  	v6 =	vld [tilespmem:s17+$0xA570]  }
0xc0: {  	[tilespmem:s17+$0x4540] =	vst v0;
	v0 =	vmul.f32 v5, v1;
	v1 =	vld [tilespmem:s17+$0x4580]  }
0xc1: {  	v5 =	vld [tilespmem:s17+$0xA580]  }
0xc2: {  	[tilespmem:s17+$0x4550] =	vst v0;
	v0 =	vmul.f32 v4, v3;
	v3 =	vld [tilespmem:s17+$0x4590]  }
0xc3: {  	v4 =	vld [tilespmem:s17+$0xA590]  }
0xc4: {  	[tilespmem:s17+$0x4560] =	vst v0;
	v0 =	vmul.f32 v6, v2;
	v2 =	vld [tilespmem:s17+$0x45A0]  }
0xc5: {  	v6 =	vld [tilespmem:s17+$0xA5A0]  }
0xc6: {  	[tilespmem:s17+$0x4570] =	vst v0;
	v0 =	vmul.f32 v5, v1;
	v5 =	vld [tilespmem:s17+$0x45B0]  }
0xc7: {  	v7 =	vld [tilespmem:s17+$0xA5B0]  }
.Ltmp5:
0xc8: {  	[tilespmem:s17+$0x4580] =	vst v0;
	v3 =	vmul.f32 v4, v3;
	v0 =	vld [tilespmem:s17+$0x45C0];
	(pc) =	sbr.rel @p1 .LBB2_4-.Ltmp5, $4  }
0xc9: {  	v1 =	vld [tilespmem:s17+$0xA5C0]  }
0xca: {  	[tilespmem:s17+$0x4590] =	vst v3;
	v4 =	vmul.f32 v6, v2;
	v2 =	vld [tilespmem:s17+$0x45D0]  }
0xcb: {  	v3 =	vld [tilespmem:s17+$0xA5D0]  }
0xcc: {  	s25 =	sadd.s32 $0x800, s25;
	[tilespmem:s17+$0x45A0] =	vst v4;
	v5 =	vmul.f32 v7, v5;
	v4 =	vld [tilespmem:s17+$0x45E0]  }
0xcd: {  	v6 =	vld [tilespmem:s17+$0xA5E0];
	_ =	sdelay $0x2  }
0xce: {  	v0 =	vmul.f32 v1, v0  }
0xcf: {  	[tilespmem:s17+$0x45B0] =	vst v5;
	v61 =	vmul.f32 v3, v2  }
0xd0: {  	[tilespmem:s17+$0x45C0] =	vst v0;
	v62 =	vmul.f32 v6, v4  }
0xd1: {  	[tilespmem:s17+$0x45D0] =	vst v61  }
0xd2: {  	[tilespmem:s17+$0x45E0] =	vst v62  }
0xd3: {  	[spmem:s2] =	stream.indirect.scatter.add.f32 [tilespmem:s31], [sflag:$0x9], $0x80, s12, s22, $0xb8;
	v63 =	vld [tilespmem:$0x0]  }
0xd4: {  	_ =	swait.ge [sflag:s16], $0x2000  }
0xd5: {  	[sflag:s16] =	ssyncset.done $0x0  }
0xd6: {  	[sflag:s16] =	ssyncadd.s32 $0xFFFFE000  }
.LBB2_6:
0xd7: {  	s17 =	sadd.s32 s14, s18  }
0xd8: {  	p1 =	sgt.u32 s17, $0x1387  }
.Ltmp6:
0xd9: {  	s23 =	sshll.u32 @!p1 s17, $0x3;
	(pc) =	sbr.rel @p0 .LBB2_8-.Ltmp6, $4  }
0xda: {  	s30 =	simm.s32 @!p1 $0x0;
	s0 =	simm.s32 @!p1 $0x100;
	s25 =	sadd.s32 @!p1 s6, s23  }
0xdb: {  	[tilespmem:s0], [sflag:$0x3] =	stream.linear.gather @!p1 [hbm4b:s25+s30], $0x40, $0x38;
	v63 =	vld [tilespmem:$0x0]  }
0xdc: {  	s0 =	sadd.s32 @!p1 s23, s10;
	s23 =	simm.s32 @!p1 $0x300  }
0xdd: {  	[tilespmem:s23], [sflag:$0x3] =	stream.linear.gather @!p1 [hbm4b:s0+s30], $0x40, $0x38;
	v63 =	vld [tilespmem:$0x0]  }
0xde: {  	_ =	swait.ge [sflag:s21], $0x40  }
0xdf: {  	[sflag:s21] =	ssyncset.done $0x0  }
0xe0: {  	[sflag:s21] =	ssyncadd.s32 $0xFFFFFFC0  }
0xe1: {  	_ =	swait.ge [sflag:s21], $0x40  }
.Ltmp7:
0xe2: {  	[sflag:s21] =	ssyncset.done $0x0;
	(pc) =	sbr.rel .LBB2_9-.Ltmp7, $4  }
0xe3: {  	s0 =	simm.s32 $0x80;
	s25 =	sshll.u32 s19, $0xA;
	[sflag:s21] =	ssyncadd.s32 $0xFFFFFFC0  }
0xe4: {  	[tilespmem:s24], [sflag:$0x5] =	stream.indirect.gather [hbm4b:s1+s22], $0x80, s0, s22, $0xb8;
	v63 =	vld [tilespmem:$0x0]  }
0xe5: {  	s30 =	simm.s32 $0x8400;
	s0 =	sadd.s32 s5, s25  }
0xe6: {  	[tilespmem:s30], [sflag:$0x5] =	stream.linear.gather [hbm4b:s0+s4], $0x2000, $0x38;
	v63 =	vld [tilespmem:$0x0]  }
.LBB2_8:
0xe7: {  	p0 =	sgt.u32 s19, $0x13A7  }
.Ltmp8:
0xe8: {  	_ = 	snop;
	(pc) =	sbr.rel @p0 .LBB2_12-.Ltmp8, $1  }
0xe9: {  	_ =	sdelay $0x3  }
.LBB2_9:
0xea: {  	_ =	swait.ge [sflag:s26], $0x2000  }
0xeb: {  	[sflag:s26] =	ssyncset.done $0x0  }
0xec: {  	[sflag:s26] =	ssyncadd.s32 $0xFFFFE000  }
0xed: {  	_ =	swait.ge [sflag:s26], $0x2000  }
0xee: {  	[sflag:s26] =	ssyncset.done $0x0  }
0xef: {  	s19 =	simm.s32 $0x500;
	[sflag:s26] =	ssyncadd.s32 $0xFFFFE000  }
0xf0: {  	s23 =	simm.s32 $0x6500;
	v0 =	vld [tilespmem:s19+$0x80]  }
0xf1: {  	v1 =	vld [tilespmem:s23+$0x80]  }
0xf2: {  	v2 =	vld [tilespmem:s19+$0xFFFFFF80]  }
0xf3: {  	v3 =	vld [tilespmem:s23+$0xFFFFFF80]  }
0xf4: {  	v4 =	vld [tilespmem:s19+$0x0]  }
0xf5: {  	v5 =	vld [tilespmem:s23+$0x0]  }
0xf6: {  	v6 =	vld [tilespmem:s19+$0xFFFFFF00];
	v0 =	vmul.f32 v1, v0  }
0xf7: {  	v1 =	vld [tilespmem:s23+$0xFFFFFF00]  }
0xf8: {  	[tilespmem:s19+$0x80] =	vst v0;
	v0 =	vld [tilespmem:s19+$0x90]  }
0xf9: {  	v2 =	vmul.f32 v3, v2;
	v3 =	vld [tilespmem:s23+$0x90]  }
0xfa: {  	v7 =	vld [tilespmem:s19+$0xFFFFFF10]  }
0xfb: {  	[tilespmem:s19+$0xFFFFFF80] =	vst v2;
	v2 =	vmul.f32 v5, v4;
	v4 =	vld [tilespmem:s19+$0xFFFFFF90]  }
0xfc: {  	v5 =	vld [tilespmem:s23+$0xFFFFFF90];
	v1 =	vmul.f32 v1, v6  }
0xfd: {  	[tilespmem:s19+$0x0] =	vst v2;
	v2 =	vld [tilespmem:s19+$0x10]  }
0xfe: {  	v6 =	vld [tilespmem:s23+$0x10];
	[tilespmem:s19+$0xFFFFFF00] =	vst v1;
	v0 =	vmul.f32 v3, v0  }
0xff: {  	v1 =	vld [tilespmem:s23+$0xFFFFFF10]  }
0x100: {  	[tilespmem:s19+$0x90] =	vst v0;
	v0 =	vld [tilespmem:s19+$0xA0]  }
0x101: {  	v3 =	vmul.f32 v5, v4;
	v4 =	vld [tilespmem:s23+$0xA0]  }
0x102: {  	v5 =	vld [tilespmem:s19+$0xFFFFFF20]  }
0x103: {  	[tilespmem:s19+$0xFFFFFF90] =	vst v3;
	v2 =	vmul.f32 v6, v2;
	v3 =	vld [tilespmem:s19+$0xFFFFFFA0]  }
0x104: {  	v6 =	vld [tilespmem:s23+$0xFFFFFFA0];
	v1 =	vmul.f32 v1, v7  }
0x105: {  	[tilespmem:s19+$0x10] =	vst v2;
	v2 =	vld [tilespmem:s19+$0x20]  }
0x106: {  	v7 =	vld [tilespmem:s23+$0x20];
	[tilespmem:s19+$0xFFFFFF10] =	vst v1;
	v0 =	vmul.f32 v4, v0  }
0x107: {  	v1 =	vld [tilespmem:s23+$0xFFFFFF20]  }
0x108: {  	[tilespmem:s19+$0xA0] =	vst v0;
	v0 =	vld [tilespmem:s19+$0xB0]  }
0x109: {  	v3 =	vmul.f32 v6, v3;
	v4 =	vld [tilespmem:s23+$0xB0]  }
0x10a: {  	v6 =	vld [tilespmem:s19+$0xFFFFFF30]  }
0x10b: {  	[tilespmem:s19+$0xFFFFFFA0] =	vst v3;
	v2 =	vmul.f32 v7, v2;
	v3 =	vld [tilespmem:s19+$0xFFFFFFB0]  }
0x10c: {  	v7 =	vld [tilespmem:s23+$0xFFFFFFB0];
	v1 =	vmul.f32 v1, v5  }
0x10d: {  	[tilespmem:s19+$0x20] =	vst v2;
	v2 =	vld [tilespmem:s19+$0x30]  }
0x10e: {  	v5 =	vld [tilespmem:s23+$0x30];
	[tilespmem:s19+$0xFFFFFF20] =	vst v1;
	v0 =	vmul.f32 v4, v0  }
0x10f: {  	v1 =	vld [tilespmem:s23+$0xFFFFFF30]  }
0x110: {  	[tilespmem:s19+$0xB0] =	vst v0;
	v0 =	vld [tilespmem:s19+$0xC0]  }
0x111: {  	v3 =	vmul.f32 v7, v3;
	v4 =	vld [tilespmem:s23+$0xC0]  }
0x112: {  	v7 =	vld [tilespmem:s19+$0xFFFFFF40]  }
0x113: {  	[tilespmem:s19+$0xFFFFFFB0] =	vst v3;
	v2 =	vmul.f32 v5, v2;
	v3 =	vld [tilespmem:s19+$0xFFFFFFC0]  }
0x114: {  	v5 =	vld [tilespmem:s23+$0xFFFFFFC0];
	v1 =	vmul.f32 v1, v6  }
0x115: {  	[tilespmem:s19+$0x30] =	vst v2;
	v2 =	vld [tilespmem:s19+$0x40]  }
0x116: {  	v6 =	vld [tilespmem:s23+$0x40];
	[tilespmem:s19+$0xFFFFFF30] =	vst v1;
	v0 =	vmul.f32 v4, v0  }
0x117: {  	v1 =	vld [tilespmem:s23+$0xFFFFFF40]  }
0x118: {  	[tilespmem:s19+$0xC0] =	vst v0;
	v0 =	vld [tilespmem:s19+$0xD0]  }
0x119: {  	v3 =	vmul.f32 v5, v3;
	v4 =	vld [tilespmem:s23+$0xD0]  }
0x11a: {  	v5 =	vld [tilespmem:s19+$0xFFFFFF50]  }
0x11b: {  	[tilespmem:s19+$0xFFFFFFC0] =	vst v3;
	v2 =	vmul.f32 v6, v2;
	v3 =	vld [tilespmem:s19+$0xFFFFFFD0]  }
0x11c: {  	v6 =	vld [tilespmem:s23+$0xFFFFFFD0];
	v1 =	vmul.f32 v1, v7  }
0x11d: {  	[tilespmem:s19+$0x40] =	vst v2;
	v2 =	vld [tilespmem:s19+$0x50]  }
0x11e: {  	v7 =	vld [tilespmem:s23+$0x50];
	[tilespmem:s19+$0xFFFFFF40] =	vst v1;
	v0 =	vmul.f32 v4, v0  }
0x11f: {  	v1 =	vld [tilespmem:s23+$0xFFFFFF50]  }
0x120: {  	[tilespmem:s19+$0xD0] =	vst v0;
	v0 =	vld [tilespmem:s19+$0xE0]  }
0x121: {  	v3 =	vmul.f32 v6, v3;
	v4 =	vld [tilespmem:s23+$0xE0]  }
0x122: {  	v6 =	vld [tilespmem:s19+$0xFFFFFF60]  }
0x123: {  	[tilespmem:s19+$0xFFFFFFD0] =	vst v3;
	v2 =	vmul.f32 v7, v2;
	v3 =	vld [tilespmem:s19+$0xFFFFFFE0]  }
0x124: {  	v7 =	vld [tilespmem:s23+$0xFFFFFFE0];
	v1 =	vmul.f32 v1, v5  }
0x125: {  	[tilespmem:s19+$0x50] =	vst v2;
	v2 =	vld [tilespmem:s19+$0x60]  }
0x126: {  	v5 =	vld [tilespmem:s23+$0x60];
	[tilespmem:s19+$0xFFFFFF50] =	vst v1;
	v0 =	vmul.f32 v4, v0  }
0x127: {  	v4 =	vld [tilespmem:s23+$0xFFFFFF60]  }
0x128: {  	v8 =	vld [tilespmem:s19+$0xF0];
	[tilespmem:s19+$0xE0] =	vst v0  }
0x129: {  	v1 =	vmul.f32 v7, v3;
	v7 =	vld [tilespmem:s23+$0xF0]  }
0x12a: {  	v0 =	vld [tilespmem:s19+$0xFFFFFF70]  }
0x12b: {  	[tilespmem:s19+$0xFFFFFFE0] =	vst v1;
	v2 =	vmul.f32 v5, v2;
	v1 =	vld [tilespmem:s19+$0xFFFFFFF0]  }
0x12c: {  	v3 =	vld [tilespmem:s23+$0xFFFFFFF0];
	v4 =	vmul.f32 v4, v6  }
0x12d: {  	[tilespmem:s19+$0x60] =	vst v2;
	v2 =	vld [tilespmem:s19+$0x70]  }
0x12e: {  	[tilespmem:s19+$0xFFFFFF60] =	vst v4;
	v4 =	vld [tilespmem:s23+$0x70];
	v6 =	vmul.f32 v7, v8  }
0x12f: {  	s25 =	simm.s32 $0x0;
	s30 =	simm.s32 $0x700;
	v5 =	vld [tilespmem:s23+$0xFFFFFF70]  }
.LBB2_10:
0x130: {  	v7 =	vld [tilespmem:s30+$0x80];
	[tilespmem:s19+$0xF0] =	vst v6;
	s23 =	sadd.s32 $0x200, s23  }
0x131: {  	s25 =	sadd.s32 $0x4, s25;
	v6 =	vld [tilespmem:s23+$0x80];
	v1 =	vmul.f32 v3, v1  }
0x132: {  	p0 =	slt.u32 s25, $0x3C;
	v3 =	vld [tilespmem:s23+$0xFFFFFF00]  }
0x133: {  	v8 =	vld [tilespmem:s30+$0xFFFFFF80];
	[tilespmem:s19+$0xFFFFFFF0] =	vst v1;
	v1 =	vmul.f32 v4, v2  }
0x134: {  	v2 =	vld [tilespmem:s23+$0xFFFFFF80];
	v0 =	vmul.f32 v5, v0  }
0x135: {  	v4 =	vld [tilespmem:s30+$0x0];
	[tilespmem:s19+$0x70] =	vst v1  }
0x136: {  	v1 =	vld [tilespmem:s23+$0x0];
	v5 =	vmul.f32 v6, v7;
	[tilespmem:s19+$0xFFFFFF70] =	vst v0;
	s19 =	smov.u32 s30  }
0x137: {  	v0 =	vld [tilespmem:s30+$0xFFFFFF00]  }
0x138: {  	[tilespmem:s30+$0x80] =	vst v5;
	v5 =	vld [tilespmem:s30+$0x90]  }
0x139: {  	v2 =	vmul.f32 v2, v8;
	v6 =	vld [tilespmem:s23+$0x90]  }
0x13a: {  	v7 =	vld [tilespmem:s30+$0xFFFFFF10]  }
0x13b: {  	[tilespmem:s30+$0xFFFFFF80] =	vst v2;
	v2 =	vld [tilespmem:s30+$0xFFFFFF90];
	v1 =	vmul.f32 v1, v4  }
0x13c: {  	v0 =	vmul.f32 v3, v0;
	v3 =	vld [tilespmem:s23+$0xFFFFFF90]  }
0x13d: {  	[tilespmem:s30+$0x0] =	vst v1;
	v1 =	vld [tilespmem:s30+$0x10]  }
0x13e: {  	[tilespmem:s30+$0xFFFFFF00] =	vst v0;
	v0 =	vld [tilespmem:s23+$0x10];
	v4 =	vmul.f32 v6, v5  }
0x13f: {  	v5 =	vld [tilespmem:s23+$0xFFFFFF10]  }
0x140: {  	[tilespmem:s30+$0x90] =	vst v4;
	v4 =	vld [tilespmem:s30+$0xA0]  }
0x141: {  	v2 =	vmul.f32 v3, v2;
	v3 =	vld [tilespmem:s23+$0xA0]  }
0x142: {  	v6 =	vld [tilespmem:s30+$0xFFFFFF20]  }
0x143: {  	[tilespmem:s30+$0xFFFFFF90] =	vst v2;
	v2 =	vld [tilespmem:s30+$0xFFFFFFA0];
	v0 =	vmul.f32 v0, v1  }
0x144: {  	v1 =	vmul.f32 v5, v7;
	v5 =	vld [tilespmem:s23+$0xFFFFFFA0]  }
0x145: {  	[tilespmem:s30+$0x10] =	vst v0;
	v0 =	vld [tilespmem:s30+$0x20]  }
0x146: {  	[tilespmem:s30+$0xFFFFFF10] =	vst v1;
	v1 =	vld [tilespmem:s23+$0x20];
	v3 =	vmul.f32 v3, v4  }
0x147: {  	v4 =	vld [tilespmem:s23+$0xFFFFFF20]  }
0x148: {  	[tilespmem:s30+$0xA0] =	vst v3;
	v3 =	vld [tilespmem:s30+$0xB0]  }
0x149: {  	v2 =	vmul.f32 v5, v2;
	v5 =	vld [tilespmem:s23+$0xB0]  }
0x14a: {  	v7 =	vld [tilespmem:s30+$0xFFFFFF30]  }
0x14b: {  	[tilespmem:s30+$0xFFFFFFA0] =	vst v2;
	v2 =	vld [tilespmem:s30+$0xFFFFFFB0];
	v0 =	vmul.f32 v1, v0  }
0x14c: {  	v1 =	vmul.f32 v4, v6;
	v4 =	vld [tilespmem:s23+$0xFFFFFFB0]  }
0x14d: {  	[tilespmem:s30+$0x20] =	vst v0;
	v0 =	vld [tilespmem:s30+$0x30]  }
0x14e: {  	[tilespmem:s30+$0xFFFFFF20] =	vst v1;
	v1 =	vld [tilespmem:s23+$0x30];
	v3 =	vmul.f32 v5, v3  }
0x14f: {  	v5 =	vld [tilespmem:s23+$0xFFFFFF30]  }
0x150: {  	[tilespmem:s30+$0xB0] =	vst v3;
	v3 =	vld [tilespmem:s30+$0xC0]  }
0x151: {  	v2 =	vmul.f32 v4, v2;
	v4 =	vld [tilespmem:s23+$0xC0]  }
0x152: {  	v6 =	vld [tilespmem:s30+$0xFFFFFF40]  }
0x153: {  	[tilespmem:s30+$0xFFFFFFB0] =	vst v2;
	v2 =	vld [tilespmem:s30+$0xFFFFFFC0];
	v0 =	vmul.f32 v1, v0  }
0x154: {  	v1 =	vmul.f32 v5, v7;
	v5 =	vld [tilespmem:s23+$0xFFFFFFC0]  }
0x155: {  	[tilespmem:s30+$0x30] =	vst v0;
	v0 =	vld [tilespmem:s30+$0x40]  }
0x156: {  	[tilespmem:s30+$0xFFFFFF30] =	vst v1;
	v1 =	vld [tilespmem:s23+$0x40];
	v3 =	vmul.f32 v4, v3  }
0x157: {  	v4 =	vld [tilespmem:s23+$0xFFFFFF40]  }
0x158: {  	[tilespmem:s30+$0xC0] =	vst v3;
	v3 =	vld [tilespmem:s30+$0xD0]  }
0x159: {  	v2 =	vmul.f32 v5, v2;
	v5 =	vld [tilespmem:s23+$0xD0]  }
0x15a: {  	v7 =	vld [tilespmem:s30+$0xFFFFFF50]  }
0x15b: {  	[tilespmem:s30+$0xFFFFFFC0] =	vst v2;
	v2 =	vld [tilespmem:s30+$0xFFFFFFD0];
	v0 =	vmul.f32 v1, v0  }
0x15c: {  	v1 =	vmul.f32 v4, v6;
	v4 =	vld [tilespmem:s23+$0xFFFFFFD0]  }
0x15d: {  	[tilespmem:s30+$0x40] =	vst v0;
	v0 =	vld [tilespmem:s30+$0x50]  }
0x15e: {  	[tilespmem:s30+$0xFFFFFF40] =	vst v1;
	v1 =	vld [tilespmem:s23+$0x50];
	v3 =	vmul.f32 v5, v3  }
0x15f: {  	v5 =	vld [tilespmem:s23+$0xFFFFFF50]  }
0x160: {  	[tilespmem:s30+$0xD0] =	vst v3;
	v3 =	vld [tilespmem:s30+$0xE0]  }
0x161: {  	v2 =	vmul.f32 v4, v2;
	v4 =	vld [tilespmem:s23+$0xE0]  }
0x162: {  	v6 =	vld [tilespmem:s30+$0xFFFFFF60]  }
0x163: {  	[tilespmem:s30+$0xFFFFFFD0] =	vst v2;
	v2 =	vld [tilespmem:s30+$0xFFFFFFE0];
	v0 =	vmul.f32 v1, v0  }
0x164: {  	v1 =	vmul.f32 v5, v7;
	v5 =	vld [tilespmem:s23+$0xFFFFFFE0]  }
0x165: {  	[tilespmem:s30+$0x50] =	vst v0;
	v7 =	vld [tilespmem:s30+$0x60]  }
0x166: {  	[tilespmem:s30+$0xFFFFFF50] =	vst v1;
	v8 =	vld [tilespmem:s23+$0x60];
	v0 =	vmul.f32 v4, v3  }
0x167: {  	v3 =	vld [tilespmem:s23+$0xFFFFFF60]  }
0x168: {  	[tilespmem:s30+$0xE0] =	vst v0;
	v9 =	vld [tilespmem:s30+$0xF0]  }
0x169: {  	v1 =	vmul.f32 v5, v2;
	v5 =	vld [tilespmem:s23+$0xF0]  }
0x16a: {  	v0 =	vld [tilespmem:s30+$0xFFFFFF70]  }
.Ltmp9:
0x16b: {  	[tilespmem:s30+$0xFFFFFFE0] =	vst v1;
	v1 =	vld [tilespmem:s30+$0xFFFFFFF0];
	v2 =	vmul.f32 v8, v7;
	(pc) =	sbr.rel @p0 .LBB2_10-.Ltmp9, $4  }
0x16c: {  	v4 =	vmul.f32 v3, v6;
	v3 =	vld [tilespmem:s23+$0xFFFFFFF0]  }
0x16d: {  	[tilespmem:s30+$0x60] =	vst v2;
	v2 =	vld [tilespmem:s30+$0x70]  }
0x16e: {  	[tilespmem:s30+$0xFFFFFF60] =	vst v4;
	v4 =	vld [tilespmem:s23+$0x70];
	v6 =	vmul.f32 v5, v9  }
0x16f: {  	s30 =	sadd.s32 $0x200, s30;
	v5 =	vld [tilespmem:s23+$0xFFFFFF70]  }
0x170: {  	_ =	sdelay $0x1  }
0x171: {  	v1 =	vmul.f32 v3, v1  }
0x172: {  	[tilespmem:s19+$0xF0] =	vst v6;
	v2 =	vmul.f32 v4, v2  }
0x173: {  	[tilespmem:s19+$0xFFFFFFF0] =	vst v1;
	v0 =	vmul.f32 v5, v0  }
0x174: {  	[tilespmem:s19+$0x70] =	vst v2  }
0x175: {  	[tilespmem:s19+$0xFFFFFF70] =	vst v0  }
0x176: {  	[spmem:s2] =	stream.indirect.scatter.add.f32 [tilespmem:s28], [sflag:$0x7], $0x80, s20, s22, $0xb8;
	v63 =	vld [tilespmem:$0x0]  }
.LBB2_12:
0x177: {  	p0 =	sgt.u32 s17, $0x13C7  }
0x178: {  	s18 =	sadd.s32 s15, s18;
	s0 =	simm.s32 @!p0 $0x7  }
0x179: {  	p2 =	sgt.u32 s18, $0x1387;
	_ =	swait.ge @!p0 [sflag:s0], $0x2000  }
.Ltmp10:
0x17a: {  	s18 =	sshll.u32 @!p2 s18, $0x3;
	[sflag:s0] =	ssyncset.done @!p0 $0x0;
	(pc) =	sbr.rel @p1 .LBB2_14-.Ltmp10, $4  }
0x17b: {  	s19 =	simm.s32 @!p2 $0x0;
	[sflag:s0] =	ssyncadd.s32 @!p0 $0xFFFFE000;
	s0 =	sadd.s32 @!p2 s6, s18  }
0x17c: {  	[tilespmem:s19], [sflag:$0x1] =	stream.linear.gather @!p2 [hbm4b:s0+s19], $0x40, $0x38;
	v63 =	vld [tilespmem:$0x0]  }
0x17d: {  	s0 =	sadd.s32 @!p2 s18, s10;
	s18 =	simm.s32 @!p2 $0x200  }
0x17e: {  	[tilespmem:s18], [sflag:$0x1] =	stream.linear.gather @!p2 [hbm4b:s0+s19], $0x40, $0x38;
	v63 =	vld [tilespmem:$0x0]  }
0x17f: {  	_ =	swait.ge [sflag:s29], $0x40  }
0x180: {  	[sflag:s29] =	ssyncset.done $0x0  }
0x181: {  	[sflag:s29] =	ssyncadd.s32 $0xFFFFFFC0  }
0x182: {  	_ =	swait.ge [sflag:s29], $0x40  }
.Ltmp11:
0x183: {  	[sflag:s29] =	ssyncset.done $0x0;
	(pc) =	sbr.rel .LBB2_15-.Ltmp11, $4  }
0x184: {  	s0 =	simm.s32 $0x100;
	s25 =	sshll.u32 s17, $0xA;
	[sflag:s29] =	ssyncadd.s32 $0xFFFFFFC0  }
0x185: {  	[tilespmem:s31], [sflag:$0x6] =	stream.indirect.gather [hbm4b:s1+s22], $0x80, s0, s22, $0xb8;
	v63 =	vld [tilespmem:$0x0]  }
0x186: {  	s30 =	simm.s32 $0xA400;
	s0 =	sadd.s32 s5, s25  }
0x187: {  	[tilespmem:s30], [sflag:$0x6] =	stream.linear.gather [hbm4b:s0+s4], $0x2000, $0x38;
	v63 =	vld [tilespmem:$0x0]  }
.LBB2_14:
0x188: {  	p0 =	sgt.u32 s17, $0x13A7  }
.Ltmp12:
0x189: {  	_ = 	snop;
	(pc) =	sbr.rel @p0 .LBB2_18-.Ltmp12, $1  }
0x18a: {  	_ =	sdelay $0x3  }
.LBB2_15:
0x18b: {  	_ =	swait.ge [sflag:s3], $0x2000  }
0x18c: {  	[sflag:s3] =	ssyncset.done $0x0  }
0x18d: {  	[sflag:s3] =	ssyncadd.s32 $0xFFFFE000  }
0x18e: {  	_ =	swait.ge [sflag:s3], $0x2000  }
0x18f: {  	[sflag:s3] =	ssyncset.done $0x0  }
0x190: {  	s17 =	simm.s32 $0x25F0;
	[sflag:s3] =	ssyncadd.s32 $0xFFFFE000  }
0x191: {  	s18 =	simm.s32 $0x85F0;
	v0 =	vld [tilespmem:s17+$0xFFFFFF90]  }
0x192: {  	v1 =	vld [tilespmem:s18+$0xFFFFFF90]  }
0x193: {  	v2 =	vld [tilespmem:s17+$0xFFFFFE90]  }
0x194: {  	v3 =	vld [tilespmem:s18+$0xFFFFFE90]  }
0x195: {  	v4 =	vld [tilespmem:s17+$0xFFFFFF10]  }
0x196: {  	v5 =	vld [tilespmem:s18+$0xFFFFFF10]  }
0x197: {  	v6 =	vld [tilespmem:s17+$0xFFFFFE10];
	v0 =	vmul.f32 v1, v0  }
0x198: {  	v1 =	vld [tilespmem:s18+$0xFFFFFE10]  }
0x199: {  	[tilespmem:s17+$0xFFFFFF90] =	vst v0;
	v0 =	vld [tilespmem:s17+$0xFFFFFFA0]  }
0x19a: {  	v2 =	vmul.f32 v3, v2;
	v3 =	vld [tilespmem:s18+$0xFFFFFFA0]  }
0x19b: {  	v7 =	vld [tilespmem:s17+$0xFFFFFE20]  }
0x19c: {  	[tilespmem:s17+$0xFFFFFE90] =	vst v2;
	v2 =	vmul.f32 v5, v4;
	v4 =	vld [tilespmem:s17+$0xFFFFFEA0]  }
0x19d: {  	v5 =	vld [tilespmem:s18+$0xFFFFFEA0];
	v1 =	vmul.f32 v1, v6  }
0x19e: {  	[tilespmem:s17+$0xFFFFFF10] =	vst v2;
	v2 =	vld [tilespmem:s17+$0xFFFFFF20]  }
0x19f: {  	v6 =	vld [tilespmem:s18+$0xFFFFFF20];
	[tilespmem:s17+$0xFFFFFE10] =	vst v1;
	v0 =	vmul.f32 v3, v0  }
0x1a0: {  	v1 =	vld [tilespmem:s18+$0xFFFFFE20]  }
0x1a1: {  	[tilespmem:s17+$0xFFFFFFA0] =	vst v0;
	v0 =	vld [tilespmem:s17+$0xFFFFFFB0]  }
0x1a2: {  	v3 =	vmul.f32 v5, v4;
	v4 =	vld [tilespmem:s18+$0xFFFFFFB0]  }
0x1a3: {  	v5 =	vld [tilespmem:s17+$0xFFFFFE30]  }
0x1a4: {  	[tilespmem:s17+$0xFFFFFEA0] =	vst v3;
	v2 =	vmul.f32 v6, v2;
	v3 =	vld [tilespmem:s17+$0xFFFFFEB0]  }
0x1a5: {  	v6 =	vld [tilespmem:s18+$0xFFFFFEB0];
	v1 =	vmul.f32 v1, v7  }
0x1a6: {  	[tilespmem:s17+$0xFFFFFF20] =	vst v2;
	v2 =	vld [tilespmem:s17+$0xFFFFFF30]  }
0x1a7: {  	v7 =	vld [tilespmem:s18+$0xFFFFFF30];
	[tilespmem:s17+$0xFFFFFE20] =	vst v1;
	v0 =	vmul.f32 v4, v0  }
0x1a8: {  	v1 =	vld [tilespmem:s18+$0xFFFFFE30]  }
0x1a9: {  	[tilespmem:s17+$0xFFFFFFB0] =	vst v0;
	v0 =	vld [tilespmem:s17+$0xFFFFFFC0]  }
0x1aa: {  	v3 =	vmul.f32 v6, v3;
	v4 =	vld [tilespmem:s18+$0xFFFFFFC0]  }
0x1ab: {  	v6 =	vld [tilespmem:s17+$0xFFFFFE40]  }
0x1ac: {  	[tilespmem:s17+$0xFFFFFEB0] =	vst v3;
	v2 =	vmul.f32 v7, v2;
	v3 =	vld [tilespmem:s17+$0xFFFFFEC0]  }
0x1ad: {  	v7 =	vld [tilespmem:s18+$0xFFFFFEC0];
	v1 =	vmul.f32 v1, v5  }
0x1ae: {  	[tilespmem:s17+$0xFFFFFF30] =	vst v2;
	v2 =	vld [tilespmem:s17+$0xFFFFFF40]  }
0x1af: {  	v5 =	vld [tilespmem:s18+$0xFFFFFF40];
	[tilespmem:s17+$0xFFFFFE30] =	vst v1;
	v0 =	vmul.f32 v4, v0  }
0x1b0: {  	v1 =	vld [tilespmem:s18+$0xFFFFFE40]  }
0x1b1: {  	[tilespmem:s17+$0xFFFFFFC0] =	vst v0;
	v0 =	vld [tilespmem:s17+$0xFFFFFFD0]  }
0x1b2: {  	v3 =	vmul.f32 v7, v3;
	v4 =	vld [tilespmem:s18+$0xFFFFFFD0]  }
0x1b3: {  	v7 =	vld [tilespmem:s17+$0xFFFFFE50]  }
0x1b4: {  	[tilespmem:s17+$0xFFFFFEC0] =	vst v3;
	v2 =	vmul.f32 v5, v2;
	v3 =	vld [tilespmem:s17+$0xFFFFFED0]  }
0x1b5: {  	v5 =	vld [tilespmem:s18+$0xFFFFFED0];
	v1 =	vmul.f32 v1, v6  }
0x1b6: {  	[tilespmem:s17+$0xFFFFFF40] =	vst v2;
	v2 =	vld [tilespmem:s17+$0xFFFFFF50]  }
0x1b7: {  	v6 =	vld [tilespmem:s18+$0xFFFFFF50];
	[tilespmem:s17+$0xFFFFFE40] =	vst v1;
	v0 =	vmul.f32 v4, v0  }
0x1b8: {  	v1 =	vld [tilespmem:s18+$0xFFFFFE50]  }
0x1b9: {  	[tilespmem:s17+$0xFFFFFFD0] =	vst v0;
	v0 =	vld [tilespmem:s17+$0xFFFFFFE0]  }
0x1ba: {  	v3 =	vmul.f32 v5, v3;
	v4 =	vld [tilespmem:s18+$0xFFFFFFE0]  }
0x1bb: {  	v5 =	vld [tilespmem:s17+$0xFFFFFE60]  }
0x1bc: {  	[tilespmem:s17+$0xFFFFFED0] =	vst v3;
	v2 =	vmul.f32 v6, v2;
	v3 =	vld [tilespmem:s17+$0xFFFFFEE0]  }
0x1bd: {  	v6 =	vld [tilespmem:s18+$0xFFFFFEE0];
	v1 =	vmul.f32 v1, v7  }
0x1be: {  	[tilespmem:s17+$0xFFFFFF50] =	vst v2;
	v2 =	vld [tilespmem:s17+$0xFFFFFF60]  }
0x1bf: {  	v7 =	vld [tilespmem:s18+$0xFFFFFF60];
	[tilespmem:s17+$0xFFFFFE50] =	vst v1;
	v0 =	vmul.f32 v4, v0  }
0x1c0: {  	v1 =	vld [tilespmem:s18+$0xFFFFFE60]  }
0x1c1: {  	[tilespmem:s17+$0xFFFFFFE0] =	vst v0;
	v0 =	vld [tilespmem:s17+$0xFFFFFFF0]  }
0x1c2: {  	v3 =	vmul.f32 v6, v3;
	v4 =	vld [tilespmem:s18+$0xFFFFFFF0]  }
0x1c3: {  	v6 =	vld [tilespmem:s17+$0xFFFFFE70]  }
0x1c4: {  	[tilespmem:s17+$0xFFFFFEE0] =	vst v3;
	v2 =	vmul.f32 v7, v2;
	v3 =	vld [tilespmem:s17+$0xFFFFFEF0]  }
0x1c5: {  	v7 =	vld [tilespmem:s18+$0xFFFFFEF0];
	v1 =	vmul.f32 v1, v5  }
0x1c6: {  	[tilespmem:s17+$0xFFFFFF60] =	vst v2;
	v2 =	vld [tilespmem:s17+$0xFFFFFF70]  }
0x1c7: {  	v5 =	vld [tilespmem:s18+$0xFFFFFF70];
	[tilespmem:s17+$0xFFFFFE60] =	vst v1;
	v0 =	vmul.f32 v4, v0  }
0x1c8: {  	v4 =	vld [tilespmem:s18+$0xFFFFFE70]  }
0x1c9: {  	v8 =	vld [tilespmem:s17+$0x0];
	[tilespmem:s17+$0xFFFFFFF0] =	vst v0  }
0x1ca: {  	v1 =	vmul.f32 v7, v3;
	v7 =	vld [tilespmem:s18+$0x0]  }
0x1cb: {  	v0 =	vld [tilespmem:s17+$0xFFFFFE80]  }
0x1cc: {  	[tilespmem:s17+$0xFFFFFEF0] =	vst v1;
	v2 =	vmul.f32 v5, v2;
	v1 =	vld [tilespmem:s17+$0xFFFFFF00]  }
0x1cd: {  	v3 =	vld [tilespmem:s18+$0xFFFFFF00];
	v4 =	vmul.f32 v4, v6  }
0x1ce: {  	[tilespmem:s17+$0xFFFFFF70] =	vst v2;
	v2 =	vld [tilespmem:s17+$0xFFFFFF80]  }
0x1cf: {  	[tilespmem:s17+$0xFFFFFE70] =	vst v4;
	v4 =	vld [tilespmem:s18+$0xFFFFFF80];
	v6 =	vmul.f32 v7, v8  }
0x1d0: {  	s19 =	simm.s32 $0x0;
	s23 =	simm.s32 $0x27F0;
	v5 =	vld [tilespmem:s18+$0xFFFFFE80]  }
.LBB2_16:
0x1d1: {  	v7 =	vld [tilespmem:s23+$0xFFFFFF90];
	[tilespmem:s17+$0x0] =	vst v6;
	s18 =	sadd.s32 $0x200, s18  }
0x1d2: {  	s19 =	sadd.s32 $0x4, s19;
	v6 =	vld [tilespmem:s18+$0xFFFFFF90];
	v1 =	vmul.f32 v3, v1  }
0x1d3: {  	p0 =	slt.u32 s19, $0x3C;
	v3 =	vld [tilespmem:s18+$0xFFFFFE10]  }
0x1d4: {  	v8 =	vld [tilespmem:s23+$0xFFFFFE90];
	[tilespmem:s17+$0xFFFFFF00] =	vst v1;
	v1 =	vmul.f32 v4, v2  }
0x1d5: {  	v2 =	vld [tilespmem:s18+$0xFFFFFE90];
	v0 =	vmul.f32 v5, v0  }
0x1d6: {  	v4 =	vld [tilespmem:s23+$0xFFFFFF10];
	[tilespmem:s17+$0xFFFFFF80] =	vst v1  }
0x1d7: {  	v1 =	vld [tilespmem:s18+$0xFFFFFF10];
	v5 =	vmul.f32 v6, v7;
	[tilespmem:s17+$0xFFFFFE80] =	vst v0;
	s17 =	smov.u32 s23  }
0x1d8: {  	v0 =	vld [tilespmem:s23+$0xFFFFFE10]  }
0x1d9: {  	[tilespmem:s23+$0xFFFFFF90] =	vst v5;
	v5 =	vld [tilespmem:s23+$0xFFFFFFA0]  }
0x1da: {  	v2 =	vmul.f32 v2, v8;
	v6 =	vld [tilespmem:s18+$0xFFFFFFA0]  }
0x1db: {  	v7 =	vld [tilespmem:s23+$0xFFFFFE20]  }
0x1dc: {  	[tilespmem:s23+$0xFFFFFE90] =	vst v2;
	v2 =	vld [tilespmem:s23+$0xFFFFFEA0];
	v1 =	vmul.f32 v1, v4  }
0x1dd: {  	v0 =	vmul.f32 v3, v0;
	v3 =	vld [tilespmem:s18+$0xFFFFFEA0]  }
0x1de: {  	[tilespmem:s23+$0xFFFFFF10] =	vst v1;
	v1 =	vld [tilespmem:s23+$0xFFFFFF20]  }
0x1df: {  	[tilespmem:s23+$0xFFFFFE10] =	vst v0;
	v0 =	vld [tilespmem:s18+$0xFFFFFF20];
	v4 =	vmul.f32 v6, v5  }
0x1e0: {  	v5 =	vld [tilespmem:s18+$0xFFFFFE20]  }
0x1e1: {  	[tilespmem:s23+$0xFFFFFFA0] =	vst v4;
	v4 =	vld [tilespmem:s23+$0xFFFFFFB0]  }
0x1e2: {  	v2 =	vmul.f32 v3, v2;
	v3 =	vld [tilespmem:s18+$0xFFFFFFB0]  }
0x1e3: {  	v6 =	vld [tilespmem:s23+$0xFFFFFE30]  }
0x1e4: {  	[tilespmem:s23+$0xFFFFFEA0] =	vst v2;
	v2 =	vld [tilespmem:s23+$0xFFFFFEB0];
	v0 =	vmul.f32 v0, v1  }
0x1e5: {  	v1 =	vmul.f32 v5, v7;
	v5 =	vld [tilespmem:s18+$0xFFFFFEB0]  }
0x1e6: {  	[tilespmem:s23+$0xFFFFFF20] =	vst v0;
	v0 =	vld [tilespmem:s23+$0xFFFFFF30]  }
0x1e7: {  	[tilespmem:s23+$0xFFFFFE20] =	vst v1;
	v1 =	vld [tilespmem:s18+$0xFFFFFF30];
	v3 =	vmul.f32 v3, v4  }
0x1e8: {  	v4 =	vld [tilespmem:s18+$0xFFFFFE30]  }
0x1e9: {  	[tilespmem:s23+$0xFFFFFFB0] =	vst v3;
	v3 =	vld [tilespmem:s23+$0xFFFFFFC0]  }
0x1ea: {  	v2 =	vmul.f32 v5, v2;
	v5 =	vld [tilespmem:s18+$0xFFFFFFC0]  }
0x1eb: {  	v7 =	vld [tilespmem:s23+$0xFFFFFE40]  }
0x1ec: {  	[tilespmem:s23+$0xFFFFFEB0] =	vst v2;
	v2 =	vld [tilespmem:s23+$0xFFFFFEC0];
	v0 =	vmul.f32 v1, v0  }
0x1ed: {  	v1 =	vmul.f32 v4, v6;
	v4 =	vld [tilespmem:s18+$0xFFFFFEC0]  }
0x1ee: {  	[tilespmem:s23+$0xFFFFFF30] =	vst v0;
	v0 =	vld [tilespmem:s23+$0xFFFFFF40]  }
0x1ef: {  	[tilespmem:s23+$0xFFFFFE30] =	vst v1;
	v1 =	vld [tilespmem:s18+$0xFFFFFF40];
	v3 =	vmul.f32 v5, v3  }
0x1f0: {  	v5 =	vld [tilespmem:s18+$0xFFFFFE40]  }
0x1f1: {  	[tilespmem:s23+$0xFFFFFFC0] =	vst v3;
	v3 =	vld [tilespmem:s23+$0xFFFFFFD0]  }
0x1f2: {  	v2 =	vmul.f32 v4, v2;
	v4 =	vld [tilespmem:s18+$0xFFFFFFD0]  }
0x1f3: {  	v6 =	vld [tilespmem:s23+$0xFFFFFE50]  }
0x1f4: {  	[tilespmem:s23+$0xFFFFFEC0] =	vst v2;
	v2 =	vld [tilespmem:s23+$0xFFFFFED0];
	v0 =	vmul.f32 v1, v0  }
0x1f5: {  	v1 =	vmul.f32 v5, v7;
	v5 =	vld [tilespmem:s18+$0xFFFFFED0]  }
0x1f6: {  	[tilespmem:s23+$0xFFFFFF40] =	vst v0;
	v0 =	vld [tilespmem:s23+$0xFFFFFF50]  }
0x1f7: {  	[tilespmem:s23+$0xFFFFFE40] =	vst v1;
	v1 =	vld [tilespmem:s18+$0xFFFFFF50];
	v3 =	vmul.f32 v4, v3  }
0x1f8: {  	v4 =	vld [tilespmem:s18+$0xFFFFFE50]  }
0x1f9: {  	[tilespmem:s23+$0xFFFFFFD0] =	vst v3;
	v3 =	vld [tilespmem:s23+$0xFFFFFFE0]  }
0x1fa: {  	v2 =	vmul.f32 v5, v2;
	v5 =	vld [tilespmem:s18+$0xFFFFFFE0]  }
0x1fb: {  	v7 =	vld [tilespmem:s23+$0xFFFFFE60]  }
0x1fc: {  	[tilespmem:s23+$0xFFFFFED0] =	vst v2;
	v2 =	vld [tilespmem:s23+$0xFFFFFEE0];
	v0 =	vmul.f32 v1, v0  }
0x1fd: {  	v1 =	vmul.f32 v4, v6;
	v4 =	vld [tilespmem:s18+$0xFFFFFEE0]  }
0x1fe: {  	[tilespmem:s23+$0xFFFFFF50] =	vst v0;
	v0 =	vld [tilespmem:s23+$0xFFFFFF60]  }
0x1ff: {  	[tilespmem:s23+$0xFFFFFE50] =	vst v1;
	v1 =	vld [tilespmem:s18+$0xFFFFFF60];
	v3 =	vmul.f32 v5, v3  }
0x200: {  	v5 =	vld [tilespmem:s18+$0xFFFFFE60]  }
0x201: {  	[tilespmem:s23+$0xFFFFFFE0] =	vst v3;
	v3 =	vld [tilespmem:s23+$0xFFFFFFF0]  }
0x202: {  	v2 =	vmul.f32 v4, v2;
	v4 =	vld [tilespmem:s18+$0xFFFFFFF0]  }
0x203: {  	v6 =	vld [tilespmem:s23+$0xFFFFFE70]  }
0x204: {  	[tilespmem:s23+$0xFFFFFEE0] =	vst v2;
	v2 =	vld [tilespmem:s23+$0xFFFFFEF0];
	v0 =	vmul.f32 v1, v0  }
0x205: {  	v1 =	vmul.f32 v5, v7;
	v5 =	vld [tilespmem:s18+$0xFFFFFEF0]  }
0x206: {  	[tilespmem:s23+$0xFFFFFF60] =	vst v0;
	v7 =	vld [tilespmem:s23+$0xFFFFFF70]  }
0x207: {  	[tilespmem:s23+$0xFFFFFE60] =	vst v1;
	v8 =	vld [tilespmem:s18+$0xFFFFFF70];
	v0 =	vmul.f32 v4, v3  }
0x208: {  	v3 =	vld [tilespmem:s18+$0xFFFFFE70]  }
0x209: {  	[tilespmem:s23+$0xFFFFFFF0] =	vst v0;
	v9 =	vld [tilespmem:s23+$0x0]  }
0x20a: {  	v1 =	vmul.f32 v5, v2;
	v5 =	vld [tilespmem:s18+$0x0]  }
0x20b: {  	v0 =	vld [tilespmem:s23+$0xFFFFFE80]  }
.Ltmp13:
0x20c: {  	[tilespmem:s23+$0xFFFFFEF0] =	vst v1;
	v1 =	vld [tilespmem:s23+$0xFFFFFF00];
	v2 =	vmul.f32 v8, v7;
	(pc) =	sbr.rel @p0 .LBB2_16-.Ltmp13, $4  }
0x20d: {  	v4 =	vmul.f32 v3, v6;
	v3 =	vld [tilespmem:s18+$0xFFFFFF00]  }
0x20e: {  	[tilespmem:s23+$0xFFFFFF70] =	vst v2;
	v2 =	vld [tilespmem:s23+$0xFFFFFF80]  }
0x20f: {  	[tilespmem:s23+$0xFFFFFE70] =	vst v4;
	v4 =	vld [tilespmem:s18+$0xFFFFFF80];
	v6 =	vmul.f32 v5, v9  }
0x210: {  	s23 =	sadd.s32 $0x200, s23;
	v5 =	vld [tilespmem:s18+$0xFFFFFE80]  }
0x211: {  	_ =	sdelay $0x1  }
0x212: {  	v1 =	vmul.f32 v3, v1  }
.Ltmp14:
0x213: {  	[tilespmem:s17+$0x0] =	vst v6;
	v2 =	vmul.f32 v4, v2;
	(pc) =	sbr.rel .LBB2_18-.Ltmp14, $4  }
0x214: {  	[tilespmem:s17+$0xFFFFFF00] =	vst v1;
	v0 =	vmul.f32 v5, v0  }
0x215: {  	[tilespmem:s17+$0xFFFFFF80] =	vst v2  }
0x216: {  	[tilespmem:s17+$0xFFFFFE80] =	vst v0  }
0x217: {  	[spmem:s2] =	stream.indirect.scatter.add.f32 [tilespmem:s24], [sflag:$0x8], $0x80, s7, s22, $0xb8;
	v63 =	vld [tilespmem:$0x0]  }
.LBB2_20:
0x218: {  	_ =	sfence.sel $0x180000  }
0x219: {  	[bflag:$0x0] =	sbarrier.arrive $0xFFFF  }
0x21a: {  	_ =	strace $0x90000047  }
0x21b: {  	s0 =	stileid.u32;
	[bflag:$0x2] =	sbarrier.arrive $0xFFFF  }
0x21c: {  	p0 =	sne.s32 s0, $0x0;
	s0 =	rddreg [dreg:$0x3]  }
0x21d: {  	s0 =	sadd.s32 @!p0 $0x100000, s0  }
0x21e: {  	[sflag:s0] =	ssyncadd.tile.s32 @!p0 $0x1;
	_ =	shalt  }
.Lfunc_end2:
_tile_overlayer_lowered:
.L_overlay_start_2:
0x21f: {  	(tag) =	ssettag $0x2  }
0x220: {  	s0 =	rddreg [dreg:$0x0];
	s2 =	stileid.u32  }
0x221: {  	s1 =	rddreg [dreg:$0x1];
	p0 =	sne.s32 s2, $0x0  }
0x222: {  	s3 =	rddreg [dreg:$0x2];
	[bflag:$0x3] =	sbarrier.arrive $0xFFFF;
	s2 =	simm.s32 @!p0 $0x1C0A  }
0x223: {  	[timem:s3], [sflag:s2] =	dma.local @!p0 [hbm:s0], s1  }
0x224: {  	s0 =	simm.s32 @!p0 $0xA  }
0x225: {  	_ =	swait.ge @!p0 [sflag:s0], s1  }
0x226: {  	s1 =	ssub.s32 @!p0 $0x0, s1;
	[sflag:s0] =	ssyncset.done @!p0 $0x0  }
0x227: {  	[sflag:s0] =	ssyncadd.s32 @!p0 s1  }
0x228: {  	[bflag:$0x3] =	sbarrier.arrive $0xFFFF  }
0x229: {  	_ =	shalt  }

</sc_bundles>
